<compile_context>
chip_gen: v7x
topology: tpu7x:2x2x1
jax: 0.10.2.dev20260603
libtpu: 0.0.44.dev20260713+nightly
codegen_flags: <defaults>
</compile_context>

<pallas_src>
import functools

import jax
import jax.numpy as jnp
from jax import lax
from jax.experimental import pallas as pl
from jax.experimental.pallas import tpu as pltpu
from jax.experimental.pallas import tpu_sc as plsc

N = 4096
MAX_NN = 32
NE = N * MAX_NN
CUTOFF2 = 100.0
BIG = 1e10
BIGH = 5e9
NW = 32
RPW = N // NW
PAD = 16
CAND = N + 64
NUM_MOL = 128

_mesh = plsc.VectorSubcoreMesh(core_axis_name="c", subcore_axis_name="s")


def _sget(ref, idx):
    return ref[pl.ds(idx, 16)][0]


@functools.partial(
    pl.kernel,
    mesh=_mesh,
    compiler_params=pltpu.CompilerParams(
        needs_layout_passes=False, skip_device_barrier=True),
    out_type=[
        jax.ShapeDtypeStruct((2, NE), jnp.int32),
        jax.ShapeDtypeStruct((NE,), jnp.float32),
    ],
    scratch_types=[
        pltpu.VMEM((3 * N + 48,), jnp.float32),
        pltpu.VMEM((PAD + N + 16,), jnp.int32),
        pltpu.VMEM((2 * CAND,), jnp.float32),
        pltpu.VMEM((2 * CAND,), jnp.int32),
        pltpu.VMEM((RPW * MAX_NN,), jnp.int32),
        pltpu.VMEM((RPW * MAX_NN,), jnp.int32),
        pltpu.VMEM((RPW * MAX_NN,), jnp.float32),
        pltpu.VMEM((NUM_MOL + 16,), jnp.int32),
        pltpu.VMEM((NUM_MOL + 16,), jnp.int32),
        pltpu.VMEM((NUM_MOL,), jnp.int32),
        pltpu.VMEM((RPW + 16,), jnp.int32),
        pltpu.VMEM((RPW + 16,), jnp.int32),
        pltpu.VMEM_SHARED((NUM_MOL,), jnp.int32),
        pltpu.VMEM_SHARED((NUM_MOL,), jnp.int32),
        pltpu.SemaphoreType.DMA,
        pltpu.SemaphoreType.DMA,
    ],
)
def _sc_topk(p_h, b_h, ei_o, w_o,
             p_v, b_v, cd_v, ci_v, os_v, oc_v, ow_v, ss_v, se_v,
             idx_v, rs_v, re_v, ss_sh, se_sh, sem, sem2):
    wid = lax.axis_index("s") * 2 + lax.axis_index("c")
    base = wid * RPW

    pcopy = pltpu.async_copy(p_h, p_v.at[pl.ds(0, 3 * N)], sem2)
    pltpu.sync_copy(b_h, b_v.at[pl.ds(PAD, N)])
    b_v[pl.ds(0, 16)] = jnp.full((16,), -1, jnp.int32)
    b_v[pl.ds(PAD + N, 16)] = jnp.full((16,), 2**30, jnp.int32)

    iota = lax.broadcasted_iota(jnp.int32, (16,), 0)
    bigv = jnp.full((16,), BIG, jnp.float32)

    sid = lax.axis_index("s")
    zv = jnp.zeros((16,), jnp.int32)

    def zero_body(k, acc):
        ss_v[pl.ds(k * 16, 16)] = zv
        se_v[pl.ds(k * 16, 16)] = zv
        idx_v[pl.ds(k * 16, 16)] = k * 16 + iota
        return acc

    lax.fori_loop(0, NUM_MOL // 16, zero_body, jnp.int32(0))

    @pl.when(sid == 0)
    def _():
        pltpu.sync_copy(ss_v.at[pl.ds(0, NUM_MOL)], ss_sh)
        pltpu.sync_copy(se_v.at[pl.ds(0, NUM_MOL)], se_sh)

    plsc.subcore_barrier()

    def seg_body(k, acc):
        j0 = (sid + k * 16) * 16
        jv = j0 + iota
        bj = b_v[pl.ds(PAD + j0, 16)]
        bp = b_v[pl.ds(PAD + j0 - 1, 16)]
        mk = bj != bp
        plsc.store_scatter(ss_v, [bj], jv + 1, mask=mk & (jv < N))
        plsc.store_scatter(se_v, [bp], jv, mask=mk & (jv > 0))
        return acc

    nk = jnp.where(sid == 0, 17, 16)
    lax.fori_loop(0, nk, seg_body, jnp.int32(0))
    pltpu.sync_copy(ss_v.at[pl.ds(0, NUM_MOL)], ss_sh.at[idx_v], add=True)
    pltpu.sync_copy(se_v.at[pl.ds(0, NUM_MOL)], se_sh.at[idx_v], add=True)
    plsc.subcore_barrier()
    pltpu.sync_copy(ss_sh, ss_v.at[pl.ds(0, NUM_MOL)])
    pltpu.sync_copy(se_sh, se_v.at[pl.ds(0, NUM_MOL)])

    pcopy.wait()

    def rowse_body(g, acc):
        bi16 = b_v[pl.ds(PAD + base + g * 16, 16)]
        rs_v[pl.ds(g * 16, 16)] = plsc.load_gather(ss_v, [bi16]) - 1
        re_v[pl.ds(g * 16, 16)] = plsc.load_gather(se_v, [bi16])
        return acc

    lax.fori_loop(0, RPW // 16, rowse_body, jnp.int32(0))

    @plsc.parallel_loop(0, RPW, 1, unroll=2)
    def row_body(il):
        pb = (il & 1) * CAND
        ia = base + il
        xi = _sget(p_v, ia)
        yi = _sget(p_v, N + ia)
        zi = _sget(p_v, 2 * N + ia)
        s = _sget(rs_v, il)
        e = _sget(re_v, il)

        def mchunk(j0):
            jv = j0 + iota
            xj = p_v[pl.ds(j0, 16)]
            yj = p_v[pl.ds(N + j0, 16)]
            zj = p_v[pl.ds(2 * N + j0, 16)]
            dx = xi - xj
            dy = yi - yj
            dz = zi - zj
            d2 = dx * dx + dy * dy + dz * dz
            valid = (jv < e) & (jv != ia) & (d2 <= CUTOFF2)
            return jnp.where(valid, d2, BIG), jv, valid

        nc = (e - s + 15) >> 4

        def fast(_):
            k1, i1, _ = mchunk(s)
            k2, i2, _ = mchunk(s + 16)
            return k1, i1, k2, i2, jnp.int32(32)

        def slow(_):
            def chunk_body(t, cnt):
                kk, jv, valid = mchunk(s + t * 16)
                plsc.store_compressed(cd_v.at[pl.ds(pb + cnt, 16)], kk, mask=valid)
                plsc.store_compressed(ci_v.at[pl.ds(pb + cnt, 16)], jv, mask=valid)
                return cnt + plsc.all_reduce_population_count(valid)[0]

            cnt = lax.fori_loop(0, nc, chunk_body, jnp.int32(0))
            cd_v[pl.ds(pb + cnt, 16)] = bigv
            cd_v[pl.ds(pb + cnt + 16, 16)] = bigv
            return (cd_v[pl.ds(pb, 16)], ci_v[pl.ds(pb, 16)],
                    cd_v[pl.ds(pb + 16, 16)], ci_v[pl.ds(pb + 16, 16)], cnt)

        def mid(_):
            k1, i1, _ = mchunk(s)
            k2, i2, _ = mchunk(s + 16)
            k3, i3, _ = mchunk(s + 32)
            cd_v[pl.ds(pb + 32, 16)] = k3
            ci_v[pl.ds(pb + 32, 16)] = i3
            return k1, i1, k2, i2, jnp.int32(48)

        def notfast(_):
            return lax.cond(nc == 3, mid, slow, None)

        ad, ai, bd, bv, cnt = lax.cond(nc <= 2, fast, notfast, None)

        ad, ai = plsc.sort_key_val(ad, ai)
        bd, bv = plsc.sort_key_val(bd, bv)
        rbd = lax.rev(bd, (0,))
        rbv = lax.rev(bv, (0,))
        m = ad <= rbd
        ld = jnp.where(m, ad, rbd)
        li = jnp.where(m, ai, rbv)
        hd = jnp.where(m, rbd, ad)
        hi = jnp.where(m, rbv, ai)
        ad, ai = plsc.sort_key_val(ld, li)
        bd, bv = plsc.sort_key_val(hd, hi)

        def tail_body(k, c):
            ad, ai, bd, bv = c
            lane = k * 16 + iota
            cd = cd_v[pl.ds(pb + k * 16, 16)]
            ci = ci_v[pl.ds(pb + k * 16, 16)]
            cd = jnp.where(lane < cnt, cd, BIG)
            cd, ci = plsc.sort_key_val(cd, ci)
            rcd = lax.rev(cd, (0,))
            rci = lax.rev(ci, (0,))
            m = ad <= rcd
            ld = jnp.where(m, ad, rcd)
            li = jnp.where(m, ai, rci)
            hd = jnp.where(m, rcd, ad)
            hi = jnp.where(m, rci, ai)
            ad2, ai2 = plsc.sort_key_val(ld, li)
            hd, hi = plsc.sort_key_val(hd, hi)
            rhd = lax.rev(hd, (0,))
            rhi = lax.rev(hi, (0,))
            m2 = bd <= rhd
            l2d = jnp.where(m2, bd, rhd)
            l2i = jnp.where(m2, bv, rhi)
            bd2, bv2 = plsc.sort_key_val(l2d, l2i)
            return (ad2, ai2, bd2, bv2)

        nch = (cnt + 15) >> 4
        ad, ai, bd, bv = lax.fori_loop(2, nch, tail_body, (ad, ai, bd, bv))

        def weight(d2k, valid):
            ib = plsc.bitcast(d2k, jnp.int32)
            y = plsc.bitcast(
                jnp.int32(0x5F3759DF) - lax.shift_right_logical(ib, 1),
                jnp.float32,
            )
            h = 0.5 * d2k
            y = y * (1.5 - h * y * y)
            return jnp.where(valid, d2k * y, 0.0)

        va = ad < BIGH
        vb = bd < BIGH
        sa = jnp.where(va, ai, ia)
        sb = jnp.where(vb, bv, ia)
        dstv = jnp.broadcast_to(ia, (16,))
        os_v[pl.ds(il * MAX_NN, 16)] = sa
        os_v[pl.ds(il * MAX_NN + 16, 16)] = sb
        oc_v[pl.ds(il * MAX_NN, 16)] = dstv
        oc_v[pl.ds(il * MAX_NN + 16, 16)] = dstv
        ow_v[pl.ds(il * MAX_NN, 16)] = weight(ad, va)
        ow_v[pl.ds(il * MAX_NN + 16, 16)] = weight(bd, vb)

    c1 = pltpu.async_copy(os_v, ei_o.at[0, pl.ds(base * MAX_NN, RPW * MAX_NN)], sem)
    c2 = pltpu.async_copy(oc_v, ei_o.at[1, pl.ds(base * MAX_NN, RPW * MAX_NN)], sem)
    c3 = pltpu.async_copy(ow_v, w_o.at[pl.ds(base * MAX_NN, RPW * MAX_NN)], sem)
    c1.wait()
    c2.wait()
    c3.wait()


def kernel(pos, batch):
    planes = pos.T.reshape(-1)
    b32 = batch.astype(jnp.int32)
    edge_index, edge_weight = _sc_topk(planes, b32)
    return edge_index, edge_weight

# --- scband reference (transcript-rebuilt; emitter-appended) ---
"""Pipeline reference for scband-radius-interaction-graph-1898375545375 (READ-ONLY COPY).

The authoritative reference and input builder live on the scoring server;
editing this copy changes nothing except your own understanding.
"""

import jax, jax.numpy as jnp
import numpy as np

CUTOFF = 10.0
MAX_NN = 32
N = 4096
NUM_MOL = 128


def setup_inputs(seed: int = 0) -> dict:
    key = jax.random.key(seed)
    k1, k2 = jax.random.split(key)
    pos = jax.random.normal(k1, (N, 3), dtype=jnp.float32)
    batch = jnp.sort(jax.random.randint(k2, (N,), 0, NUM_MOL)).astype(jnp.int64)
    return {"pos": pos, "batch": batch}


def reference(pos, batch):
    n = pos.shape[0]
    # pairwise squared distances
    diff = pos[:, None, :] - pos[None, :, :]
    dist2 = jnp.sum(diff * diff, axis=-1)
    same_mol = batch[:, None] == batch[None, :]
    eye = jnp.eye(n, dtype=bool)
    valid = same_mol & (~eye) & (dist2 <= jnp.float32(CUTOFF) ** 2)
    BIG = jnp.float32(1e10)
    masked = jnp.where(valid, dist2, BIG)
    # radius_graph with max_num_neighbors: take up to MAX_NN nearest within cutoff
    neg_top, nbr_idx = jax.lax.top_k(-masked, MAX_NN)  # [n, MAX_NN]
    top_d2 = -neg_top
    edge_valid = top_d2 < BIG * 0.5  # [n, MAX_NN]
    dst = jnp.broadcast_to(jnp.arange(n)[:, None], (n, MAX_NN))
    # pad invalid slots with self-loop index (weight forced to 0)
    src = jnp.where(edge_valid, nbr_idx, dst)
    row = src.reshape(-1)
    col = dst.reshape(-1)
    edge_index = jnp.stack([row, col], axis=0)  # [2, n*MAX_NN]
    # edge_weight = (pos[row] - pos[col]).norm(dim=-1), zero on padded slots
    d2 = jnp.sum((pos[row] - pos[col]) ** 2, axis=-1)
    ev = edge_valid.reshape(-1)
    edge_weight = jnp.sqrt(jnp.where(ev, d2, 1.0)) * ev.astype(pos.dtype)
    return edge_index, edge_weight

if __name__ == "__main__":
    import jax
    _d = setup_inputs()
    print(jax.jit(kernel)(*tuple(_d.values())))

</pallas_src>

<mosaic_0001>
#map = affine_map<(d0, d1) -> (0)>
#map1 = affine_map<(d0, d1) -> (0, 0)>
module attributes {stable_mosaic.version = 14 : i64} {
  func.func @_sc_topk(%arg0: i32, %arg1: i32, %arg2: memref<12288xf32, #tpu.memory_space<hbm>>, %arg3: memref<4096xi32, #tpu.memory_space<hbm>>, %arg4: memref<2x131072xi32, #tpu.memory_space<hbm>>, %arg5: memref<131072xf32, #tpu.memory_space<hbm>>, %arg6: memref<12336xf32, #tpu.memory_space<vmem>>, %arg7: memref<4128xi32, #tpu.memory_space<vmem>>, %arg8: memref<8320xf32, #tpu.memory_space<vmem>>, %arg9: memref<8320xi32, #tpu.memory_space<vmem>>, %arg10: memref<4096xi32, #tpu.memory_space<vmem>>, %arg11: memref<4096xi32, #tpu.memory_space<vmem>>, %arg12: memref<4096xf32, #tpu.memory_space<vmem>>, %arg13: memref<144xi32, #tpu.memory_space<vmem>>, %arg14: memref<144xi32, #tpu.memory_space<vmem>>, %arg15: memref<128xi32, #tpu.memory_space<vmem>>, %arg16: memref<144xi32, #tpu.memory_space<vmem>>, %arg17: memref<144xi32, #tpu.memory_space<vmem>>, %arg18: memref<128xi32, #tpu.memory_space<vmem_shared>>, %arg19: memref<128xi32, #tpu.memory_space<vmem_shared>>, %arg20: memref<!tpu.dma_semaphore, #tpu.memory_space<semaphore_mem>>, %arg21: memref<!tpu.dma_semaphore, #tpu.memory_space<semaphore_mem>>) attributes {dimension_semantics = [#tpu.dimension_semantics<core_parallel>, #tpu.dimension_semantics<subcore_parallel>], iteration_bounds = array<i64: 2, 16>, scalar_prefetch = 0 : i64, scratch_operands = 16 : i64, tpu.core_type = #tpu.core_type<sc_vector_subcore>, window_params = [{transform_indices = #map}, {transform_indices = #map}, {transform_indices = #map1}, {transform_indices = #map}]} {
    %mul3A = arith.constant 2 : i32
    %mul3A_0 = arith.muli %arg1, %mul3A : i32
    %add3A = arith.addi %mul3A_0, %arg0 : i32
    %mul3A_1 = arith.constant 128 : i32
    %mul3A_2 = arith.muli %add3A, %mul3A_1 : i32
    %dma_start3A = arith.constant 0 : i32
    %dma_start3A_3 = tpu.memref_slice %arg6[%dma_start3A] : memref<12336xf32, #tpu.memory_space<vmem>> -> memref<12288xf32, #tpu.memory_space<vmem>>
    %dma_start3A_4 = arith.constant 0 : i32
    %dma_start3A_5 = tpu.memref_slice %arg6[%dma_start3A_4] : memref<12336xf32, #tpu.memory_space<vmem>> -> memref<12288xf32, #tpu.memory_space<vmem>>
    tpu.enqueue_dma source(%arg2 : memref<12288xf32, #tpu.memory_space<hbm>>) target(%dma_start3A_5 : memref<12288xf32, #tpu.memory_space<vmem>>) target_semaphore(%arg21 : memref<!tpu.dma_semaphore, #tpu.memory_space<semaphore_mem>>)
    "tpu.region"() ({
      %run_scoped3A = tpu.sem_alloc : memref<!tpu.dma_semaphore, #tpu.memory_space<semaphore_mem>>
      %dma_start3A_77 = arith.constant 16 : i32
      %dma_start3A_78 = tpu.memref_slice %arg7[%dma_start3A_77] : memref<4128xi32, #tpu.memory_space<vmem>> -> memref<4096xi32, #tpu.memory_space<vmem>>
      %dma_start3A_79 = arith.constant 16 : i32
      %dma_start3A_80 = tpu.memref_slice %arg7[%dma_start3A_79] : memref<4128xi32, #tpu.memory_space<vmem>> -> memref<4096xi32, #tpu.memory_space<vmem>>
      tpu.enqueue_dma source(%arg3 : memref<4096xi32, #tpu.memory_space<hbm>>) target(%dma_start3A_80 : memref<4096xi32, #tpu.memory_space<vmem>>) target_semaphore(%run_scoped3A : memref<!tpu.dma_semaphore, #tpu.memory_space<semaphore_mem>>)
      %dma_wait3A_81 = arith.constant 16 : i32
      %dma_wait3A_82 = tpu.memref_slice %arg7[%dma_wait3A_81] : memref<4128xi32, #tpu.memory_space<vmem>> -> memref<4096xi32, #tpu.memory_space<vmem>>
      %dma_wait3A_83 = arith.constant 16 : i32
      %dma_wait3A_84 = tpu.memref_slice %arg7[%dma_wait3A_83] : memref<4128xi32, #tpu.memory_space<vmem>> -> memref<4096xi32, #tpu.memory_space<vmem>>
      tpu.wait_dma2 semaphore(%run_scoped3A : memref<!tpu.dma_semaphore, #tpu.memory_space<semaphore_mem>>) src(%arg3 : memref<4096xi32, #tpu.memory_space<hbm>>) dst(%dma_wait3A_84 : memref<4096xi32, #tpu.memory_space<vmem>>)
      tpu.yield
    }) : () -> ()
    %broadcast_in_dim3A = arith.constant -1 : i32
    %broadcast_in_dim3A_6 = vector.broadcast %broadcast_in_dim3A : i32 to vector<16xi32>
    %swap3A = arith.constant 0 : index
    %swap3A_7 = tpu.vector_load %arg7[%swap3A] {strides = array<i32>} : memref<4128xi32, #tpu.memory_space<vmem>>, vector<16xi32>,
    tpu.vector_store %arg7[%swap3A], %broadcast_in_dim3A_6 {strides = array<i32>} : memref<4128xi32, #tpu.memory_space<vmem>>, vector<16xi32>,
    %broadcast_in_dim3A_8 = arith.constant 1073741824 : i32
    %broadcast_in_dim3A_9 = vector.broadcast %broadcast_in_dim3A_8 : i32 to vector<16xi32>
    %swap3A_10 = arith.constant 4112 : index
    %swap3A_11 = tpu.vector_load %arg7[%swap3A_10] {strides = array<i32>} : memref<4128xi32, #tpu.memory_space<vmem>>, vector<16xi32>,
    tpu.vector_store %arg7[%swap3A_10], %broadcast_in_dim3A_9 {strides = array<i32>} : memref<4128xi32, #tpu.memory_space<vmem>>, vector<16xi32>,
    %iota3A = tpu.iota {dimensions = array<i32: 0>} : vector<16xi32>
    %broadcast_in_dim3A_12 = arith.constant 1.000000e+10 : f32
    %broadcast_in_dim3A_13 = vector.broadcast %broadcast_in_dim3A_12 : f32 to vector<16xf32>
    %broadcast_in_dim3A_14 = arith.constant 0 : i32
    %broadcast_in_dim3A_15 = vector.broadcast %broadcast_in_dim3A_14 : i32 to vector<16xi32>
    %scan3A = arith.constant 0 : i32
    %scan3A_16 = arith.constant 0 : i32
    %scan3A_17 = arith.constant 8 : i32
    %scan3A_18 = arith.addi %scan3A_16, %scan3A_17 : i32
    %scan3A_19 = arith.constant 1 : i32
    scf.for %scan3A_77 = %scan3A_16 to %scan3A_18 step %scan3A_19  : i32 {
      %mul3A_78 = arith.constant 16 : i32
      %mul3A_79 = arith.muli %scan3A_77, %mul3A_78 : i32
      %swap3A_80 = arith.index_cast %mul3A_79 : i32 to index
      %swap3A_81 = tpu.vector_load %arg13[%swap3A_80] {strides = array<i32>} : memref<144xi32, #tpu.memory_space<vmem>>, vector<16xi32>,
      tpu.vector_store %arg13[%swap3A_80], %broadcast_in_dim3A_15 {strides = array<i32>} : memref<144xi32, #tpu.memory_space<vmem>>, vector<16xi32>,
      %mul3A_82 = arith.constant 16 : i32
      %mul3A_83 = arith.muli %scan3A_77, %mul3A_82 : i32
      %swap3A_84 = arith.index_cast %mul3A_83 : i32 to index
      %swap3A_85 = tpu.vector_load %arg14[%swap3A_84] {strides = array<i32>} : memref<144xi32, #tpu.memory_space<vmem>>, vector<16xi32>,
      tpu.vector_store %arg14[%swap3A_84], %broadcast_in_dim3A_15 {strides = array<i32>} : memref<144xi32, #tpu.memory_space<vmem>>, vector<16xi32>,
      %mul3A_86 = arith.constant 16 : i32
      %mul3A_87 = arith.muli %scan3A_77, %mul3A_86 : i32
      %add3A_88 = vector.broadcast %mul3A_87 : i32 to vector<16xi32>
      %add3A_89 = arith.addi %add3A_88, %iota3A : vector<16xi32>
      %mul3A_90 = arith.constant 16 : i32
      %mul3A_91 = arith.muli %scan3A_77, %mul3A_90 : i32
      %swap3A_92 = arith.index_cast %mul3A_91 : i32 to index
      %swap3A_93 = tpu.vector_load %arg15[%swap3A_92] {strides = array<i32>} : memref<128xi32, #tpu.memory_space<vmem>>, vector<16xi32>,
      tpu.vector_store %arg15[%swap3A_92], %add3A_89 {strides = array<i32>} : memref<128xi32, #tpu.memory_space<vmem>>, vector<16xi32>,
    }
    %scan3A_20 = arith.constant 8 : i32
    %eq3A = arith.constant 0 : i32
    %eq3A_21 = arith.cmpi eq, %arg1, %eq3A : i32
    %convert_element_type3A = arith.extui %eq3A_21 : i1 to i32
    %cond3A = arith.constant 0 : i32
    %cond3A_22 = arith.cmpi ne, %convert_element_type3A, %cond3A : i32
    scf.if %cond3A_22 {
      "tpu.region"() ({
        %run_scoped3A = tpu.sem_alloc : memref<!tpu.dma_semaphore, #tpu.memory_space<semaphore_mem>>
        %dma_start3A_77 = arith.constant 0 : i32
        %dma_start3A_78 = tpu.memref_slice %arg13[%dma_start3A_77] : memref<144xi32, #tpu.memory_space<vmem>> -> memref<128xi32, #tpu.memory_space<vmem>>
        %dma_start3A_79 = arith.constant 0 : i32
        %dma_start3A_80 = tpu.memref_slice %arg13[%dma_start3A_79] : memref<144xi32, #tpu.memory_space<vmem>> -> memref<128xi32, #tpu.memory_space<vmem>>
        tpu.enqueue_dma source(%dma_start3A_80 : memref<128xi32, #tpu.memory_space<vmem>>) target(%arg18 : memref<128xi32, #tpu.memory_space<vmem_shared>>) target_semaphore(%run_scoped3A : memref<!tpu.dma_semaphore, #tpu.memory_space<semaphore_mem>>)
        %dma_wait3A_81 = arith.constant 0 : i32
        %dma_wait3A_82 = tpu.memref_slice %arg13[%dma_wait3A_81] : memref<144xi32, #tpu.memory_space<vmem>> -> memref<128xi32, #tpu.memory_space<vmem>>
        %dma_wait3A_83 = arith.constant 0 : i32
        %dma_wait3A_84 = tpu.memref_slice %arg13[%dma_wait3A_83] : memref<144xi32, #tpu.memory_space<vmem>> -> memref<128xi32, #tpu.memory_space<vmem>>
        tpu.wait_dma2 semaphore(%run_scoped3A : memref<!tpu.dma_semaphore, #tpu.memory_space<semaphore_mem>>) src(%dma_wait3A_84 : memref<128xi32, #tpu.memory_space<vmem>>) dst(%arg18 : memref<128xi32, #tpu.memory_space<vmem_shared>>)
        tpu.yield
      }) : () -> ()
      "tpu.region"() ({
        %run_scoped3A = tpu.sem_alloc : memref<!tpu.dma_semaphore, #tpu.memory_space<semaphore_mem>>
        %dma_start3A_77 = arith.constant 0 : i32
        %dma_start3A_78 = tpu.memref_slice %arg14[%dma_start3A_77] : memref<144xi32, #tpu.memory_space<vmem>> -> memref<128xi32, #tpu.memory_space<vmem>>
        %dma_start3A_79 = arith.constant 0 : i32
        %dma_start3A_80 = tpu.memref_slice %arg14[%dma_start3A_79] : memref<144xi32, #tpu.memory_space<vmem>> -> memref<128xi32, #tpu.memory_space<vmem>>
        tpu.enqueue_dma source(%dma_start3A_80 : memref<128xi32, #tpu.memory_space<vmem>>) target(%arg19 : memref<128xi32, #tpu.memory_space<vmem_shared>>) target_semaphore(%run_scoped3A : memref<!tpu.dma_semaphore, #tpu.memory_space<semaphore_mem>>)
        %dma_wait3A_81 = arith.constant 0 : i32
        %dma_wait3A_82 = tpu.memref_slice %arg14[%dma_wait3A_81] : memref<144xi32, #tpu.memory_space<vmem>> -> memref<128xi32, #tpu.memory_space<vmem>>
        %dma_wait3A_83 = arith.constant 0 : i32
        %dma_wait3A_84 = tpu.memref_slice %arg14[%dma_wait3A_83] : memref<144xi32, #tpu.memory_space<vmem>> -> memref<128xi32, #tpu.memory_space<vmem>>
        tpu.wait_dma2 semaphore(%run_scoped3A : memref<!tpu.dma_semaphore, #tpu.memory_space<semaphore_mem>>) src(%dma_wait3A_84 : memref<128xi32, #tpu.memory_space<vmem>>) dst(%arg19 : memref<128xi32, #tpu.memory_space<vmem_shared>>)
        tpu.yield
      }) : () -> ()
    } else {
    }
    %barrier3A = arith.constant 0 : index
    tpu.barrier barrier_id(%barrier3A)
    %eq3A_23 = arith.constant 0 : i32
    %eq3A_24 = arith.cmpi eq, %arg1, %eq3A_23 : i32
    %jit3A = arith.constant 17 : i32
    %jit3A_25 = arith.constant 16 : i32
    %select_n3A = arith.select %eq3A_24, %jit3A, %jit3A_25 : i32
    %while3A = arith.constant 0 : i32
    %while3A_26 = arith.constant 0 : i32
    %while3A_27 = arith.subi %select_n3A, %while3A_26 : i32
    %while3A_28 = arith.addi %while3A_26, %while3A_27 : i32
    %while3A_29 = arith.constant 1 : i32
    %while3A_30 = arith.divsi %while3A_27, %while3A_29 : i32
    %while3A_31 = arith.muli %while3A_30, %while3A_29 : i32
    %while3A_32 = arith.addi %while3A_26, %while3A_31 : i32
    %while3A_33 = arith.constant 1 : i32
    scf.for %while3A_77 = %while3A_26 to %while3A_32 step %while3A_33  : i32 {
      %mul3A_78 = arith.constant 16 : i32
      %mul3A_79 = arith.muli %while3A_77, %mul3A_78 : i32
      %add3A_80 = arith.addi %arg1, %mul3A_79 : i32
      %mul3A_81 = arith.constant 16 : i32
      %mul3A_82 = arith.muli %add3A_80, %mul3A_81 : i32
      %add3A_83 = vector.broadcast %mul3A_82 : i32 to vector<16xi32>
      %add3A_84 = arith.addi %add3A_83, %iota3A : vector<16xi32>
      %add3A_85 = arith.constant 16 : i32
      %add3A_86 = arith.addi %add3A_85, %mul3A_82 : i32
      %get3A = arith.index_cast %add3A_86 : i32 to index
      %get3A_87 = tpu.vector_load %arg7[%get3A] {strides = array<i32>} : memref<4128xi32, #tpu.memory_space<vmem>>, vector<16xi32>,
      %add3A_88 = arith.constant 16 : i32
      %add3A_89 = arith.addi %add3A_88, %mul3A_82 : i32
      %sub3A = arith.constant 1 : i32
      %sub3A_90 = arith.subi %add3A_89, %sub3A : i32
      %get3A_91 = arith.index_cast %sub3A_90 : i32 to index
      %get3A_92 = tpu.vector_load %arg7[%get3A_91] {strides = array<i32>} : memref<4128xi32, #tpu.memory_space<vmem>>, vector<16xi32>,
      %ne3A = arith.cmpi ne, %get3A_87, %get3A_92 : vector<16xi32>
      %add3A_93 = arith.constant 1 : i32
      %add3A_94 = vector.broadcast %add3A_93 : i32 to vector<16xi32>
      %add3A_95 = arith.addi %add3A_84, %add3A_94 : vector<16xi32>
      %lt3A = arith.constant 4096 : i32
      %lt3A_96 = vector.broadcast %lt3A : i32 to vector<16xi32>
      %lt3A_97 = arith.cmpi slt, %add3A_84, %lt3A_96 : vector<16xi32>
      %and3A = arith.andi %ne3A, %lt3A_97 : vector<16xi1>
      tpu.vector_store_idx %arg13[%get3A_87], %add3A_95 masked %and3A : memref<144xi32, #tpu.memory_space<vmem>>[vector<16xi32>], vector<16xi32>, vector<16xi1>
      %gt3A = arith.constant 0 : i32
      %gt3A_98 = vector.broadcast %gt3A : i32 to vector<16xi32>
      %gt3A_99 = arith.cmpi sgt, %add3A_84, %gt3A_98 : vector<16xi32>
      %and3A_100 = arith.andi %ne3A, %gt3A_99 : vector<16xi1>
      tpu.vector_store_idx %arg14[%get3A_92], %add3A_84 masked %and3A_100 : memref<144xi32, #tpu.memory_space<vmem>>[vector<16xi32>], vector<16xi32>, vector<16xi1>
    }
    %while3A_34 = arith.constant 1 : i32
    scf.for %while3A_77 = %while3A_32 to %while3A_28 step %while3A_34  : i32 {
      %mul3A_78 = arith.constant 16 : i32
      %mul3A_79 = arith.muli %while3A_77, %mul3A_78 : i32
      %add3A_80 = arith.addi %arg1, %mul3A_79 : i32
      %mul3A_81 = arith.constant 16 : i32
      %mul3A_82 = arith.muli %add3A_80, %mul3A_81 : i32
      %add3A_83 = vector.broadcast %mul3A_82 : i32 to vector<16xi32>
      %add3A_84 = arith.addi %add3A_83, %iota3A : vector<16xi32>
      %add3A_85 = arith.constant 16 : i32
      %add3A_86 = arith.addi %add3A_85, %mul3A_82 : i32
      %get3A = arith.index_cast %add3A_86 : i32 to index
      %get3A_87 = tpu.vector_load %arg7[%get3A] {strides = array<i32>} : memref<4128xi32, #tpu.memory_space<vmem>>, vector<16xi32>,
      %add3A_88 = arith.constant 16 : i32
      %add3A_89 = arith.addi %add3A_88, %mul3A_82 : i32
      %sub3A = arith.constant 1 : i32
      %sub3A_90 = arith.subi %add3A_89, %sub3A : i32
      %get3A_91 = arith.index_cast %sub3A_90 : i32 to index
      %get3A_92 = tpu.vector_load %arg7[%get3A_91] {strides = array<i32>} : memref<4128xi32, #tpu.memory_space<vmem>>, vector<16xi32>,
      %ne3A = arith.cmpi ne, %get3A_87, %get3A_92 : vector<16xi32>
      %add3A_93 = arith.constant 1 : i32
      %add3A_94 = vector.broadcast %add3A_93 : i32 to vector<16xi32>
      %add3A_95 = arith.addi %add3A_84, %add3A_94 : vector<16xi32>
      %lt3A = arith.constant 4096 : i32
      %lt3A_96 = vector.broadcast %lt3A : i32 to vector<16xi32>
      %lt3A_97 = arith.cmpi slt, %add3A_84, %lt3A_96 : vector<16xi32>
      %and3A = arith.andi %ne3A, %lt3A_97 : vector<16xi1>
      tpu.vector_store_idx %arg13[%get3A_87], %add3A_95 masked %and3A : memref<144xi32, #tpu.memory_space<vmem>>[vector<16xi32>], vector<16xi32>, vector<16xi1>
      %gt3A = arith.constant 0 : i32
      %gt3A_98 = vector.broadcast %gt3A : i32 to vector<16xi32>
      %gt3A_99 = arith.cmpi sgt, %add3A_84, %gt3A_98 : vector<16xi32>
      %and3A_100 = arith.andi %ne3A, %gt3A_99 : vector<16xi1>
      tpu.vector_store_idx %arg14[%get3A_92], %add3A_84 masked %and3A_100 : memref<144xi32, #tpu.memory_space<vmem>>[vector<16xi32>], vector<16xi32>, vector<16xi1>
    }
    "tpu.region"() ({
      %run_scoped3A = tpu.sem_alloc : memref<!tpu.dma_semaphore, #tpu.memory_space<semaphore_mem>>
      %dma_start3A_77 = arith.constant 0 : i32
      %dma_start3A_78 = tpu.memref_slice %arg13[%dma_start3A_77] : memref<144xi32, #tpu.memory_space<vmem>> -> memref<128xi32, #tpu.memory_space<vmem>>
      %dma_start3A_79 = arith.constant 0 : i32
      %dma_start3A_80 = tpu.memref_slice %arg18[%dma_start3A_79] : memref<128xi32, #tpu.memory_space<vmem_shared>> -> memref<128xi32, #tpu.memory_space<vmem_shared>>
      tpu.enqueue_indirect_dma source(%dma_start3A_78 : memref<128xi32, #tpu.memory_space<vmem>>) target(%dma_start3A_80 : memref<128xi32, #tpu.memory_space<vmem_shared>>) offsets(%arg15 : memref<128xi32, #tpu.memory_space<vmem>>) semaphore(%run_scoped3A : memref<!tpu.dma_semaphore, #tpu.memory_space<semaphore_mem>>) {add = true}
      %dma_wait3A_81 = arith.constant 0 : i32
      %dma_wait3A_82 = tpu.memref_slice %arg13[%dma_wait3A_81] : memref<144xi32, #tpu.memory_space<vmem>> -> memref<128xi32, #tpu.memory_space<vmem>>
      %dma_wait3A_83 = arith.constant 0 : i32
      %dma_wait3A_84 = tpu.memref_slice %arg18[%dma_wait3A_83] : memref<128xi32, #tpu.memory_space<vmem_shared>> -> memref<128xi32, #tpu.memory_space<vmem_shared>>
      tpu.wait_indirect_dma semaphore(%run_scoped3A : memref<!tpu.dma_semaphore, #tpu.memory_space<semaphore_mem>>) src(%dma_wait3A_82 : memref<128xi32, #tpu.memory_space<vmem>>) dst(%dma_wait3A_84 : memref<128xi32, #tpu.memory_space<vmem_shared>>)
      tpu.yield
    }) : () -> ()
    "tpu.region"() ({
      %run_scoped3A = tpu.sem_alloc : memref<!tpu.dma_semaphore, #tpu.memory_space<semaphore_mem>>
      %dma_start3A_77 = arith.constant 0 : i32
      %dma_start3A_78 = tpu.memref_slice %arg14[%dma_start3A_77] : memref<144xi32, #tpu.memory_space<vmem>> -> memref<128xi32, #tpu.memory_space<vmem>>
      %dma_start3A_79 = arith.constant 0 : i32
      %dma_start3A_80 = tpu.memref_slice %arg19[%dma_start3A_79] : memref<128xi32, #tpu.memory_space<vmem_shared>> -> memref<128xi32, #tpu.memory_space<vmem_shared>>
      tpu.enqueue_indirect_dma source(%dma_start3A_78 : memref<128xi32, #tpu.memory_space<vmem>>) target(%dma_start3A_80 : memref<128xi32, #tpu.memory_space<vmem_shared>>) offsets(%arg15 : memref<128xi32, #tpu.memory_space<vmem>>) semaphore(%run_scoped3A : memref<!tpu.dma_semaphore, #tpu.memory_space<semaphore_mem>>) {add = true}
      %dma_wait3A_81 = arith.constant 0 : i32
      %dma_wait3A_82 = tpu.memref_slice %arg14[%dma_wait3A_81] : memref<144xi32, #tpu.memory_space<vmem>> -> memref<128xi32, #tpu.memory_space<vmem>>
      %dma_wait3A_83 = arith.constant 0 : i32
      %dma_wait3A_84 = tpu.memref_slice %arg19[%dma_wait3A_83] : memref<128xi32, #tpu.memory_space<vmem_shared>> -> memref<128xi32, #tpu.memory_space<vmem_shared>>
      tpu.wait_indirect_dma semaphore(%run_scoped3A : memref<!tpu.dma_semaphore, #tpu.memory_space<semaphore_mem>>) src(%dma_wait3A_82 : memref<128xi32, #tpu.memory_space<vmem>>) dst(%dma_wait3A_84 : memref<128xi32, #tpu.memory_space<vmem_shared>>)
      tpu.yield
    }) : () -> ()
    %barrier3A_35 = arith.constant 0 : index
    tpu.barrier barrier_id(%barrier3A_35)
    "tpu.region"() ({
      %run_scoped3A = tpu.sem_alloc : memref<!tpu.dma_semaphore, #tpu.memory_space<semaphore_mem>>
      %dma_start3A_77 = arith.constant 0 : i32
      %dma_start3A_78 = tpu.memref_slice %arg13[%dma_start3A_77] : memref<144xi32, #tpu.memory_space<vmem>> -> memref<128xi32, #tpu.memory_space<vmem>>
      %dma_start3A_79 = arith.constant 0 : i32
      %dma_start3A_80 = tpu.memref_slice %arg13[%dma_start3A_79] : memref<144xi32, #tpu.memory_space<vmem>> -> memref<128xi32, #tpu.memory_space<vmem>>
      tpu.enqueue_dma source(%arg18 : memref<128xi32, #tpu.memory_space<vmem_shared>>) target(%dma_start3A_80 : memref<128xi32, #tpu.memory_space<vmem>>) target_semaphore(%run_scoped3A : memref<!tpu.dma_semaphore, #tpu.memory_space<semaphore_mem>>)
      %dma_wait3A_81 = arith.constant 0 : i32
      %dma_wait3A_82 = tpu.memref_slice %arg13[%dma_wait3A_81] : memref<144xi32, #tpu.memory_space<vmem>> -> memref<128xi32, #tpu.memory_space<vmem>>
      %dma_wait3A_83 = arith.constant 0 : i32
      %dma_wait3A_84 = tpu.memref_slice %arg13[%dma_wait3A_83] : memref<144xi32, #tpu.memory_space<vmem>> -> memref<128xi32, #tpu.memory_space<vmem>>
      tpu.wait_dma2 semaphore(%run_scoped3A : memref<!tpu.dma_semaphore, #tpu.memory_space<semaphore_mem>>) src(%arg18 : memref<128xi32, #tpu.memory_space<vmem_shared>>) dst(%dma_wait3A_84 : memref<128xi32, #tpu.memory_space<vmem>>)
      tpu.yield
    }) : () -> ()
    "tpu.region"() ({
      %run_scoped3A = tpu.sem_alloc : memref<!tpu.dma_semaphore, #tpu.memory_space<semaphore_mem>>
      %dma_start3A_77 = arith.constant 0 : i32
      %dma_start3A_78 = tpu.memref_slice %arg14[%dma_start3A_77] : memref<144xi32, #tpu.memory_space<vmem>> -> memref<128xi32, #tpu.memory_space<vmem>>
      %dma_start3A_79 = arith.constant 0 : i32
      %dma_start3A_80 = tpu.memref_slice %arg14[%dma_start3A_79] : memref<144xi32, #tpu.memory_space<vmem>> -> memref<128xi32, #tpu.memory_space<vmem>>
      tpu.enqueue_dma source(%arg19 : memref<128xi32, #tpu.memory_space<vmem_shared>>) target(%dma_start3A_80 : memref<128xi32, #tpu.memory_space<vmem>>) target_semaphore(%run_scoped3A : memref<!tpu.dma_semaphore, #tpu.memory_space<semaphore_mem>>)
      %dma_wait3A_81 = arith.constant 0 : i32
      %dma_wait3A_82 = tpu.memref_slice %arg14[%dma_wait3A_81] : memref<144xi32, #tpu.memory_space<vmem>> -> memref<128xi32, #tpu.memory_space<vmem>>
      %dma_wait3A_83 = arith.constant 0 : i32
      %dma_wait3A_84 = tpu.memref_slice %arg14[%dma_wait3A_83] : memref<144xi32, #tpu.memory_space<vmem>> -> memref<128xi32, #tpu.memory_space<vmem>>
      tpu.wait_dma2 semaphore(%run_scoped3A : memref<!tpu.dma_semaphore, #tpu.memory_space<semaphore_mem>>) src(%arg19 : memref<128xi32, #tpu.memory_space<vmem_shared>>) dst(%dma_wait3A_84 : memref<128xi32, #tpu.memory_space<vmem>>)
      tpu.yield
    }) : () -> ()
    %dma_wait3A = arith.constant 0 : i32
    %dma_wait3A_36 = tpu.memref_slice %arg6[%dma_wait3A] : memref<12336xf32, #tpu.memory_space<vmem>> -> memref<12288xf32, #tpu.memory_space<vmem>>
    %dma_wait3A_37 = arith.constant 0 : i32
    %dma_wait3A_38 = tpu.memref_slice %arg6[%dma_wait3A_37] : memref<12336xf32, #tpu.memory_space<vmem>> -> memref<12288xf32, #tpu.memory_space<vmem>>
    tpu.wait_dma2 semaphore(%arg21 : memref<!tpu.dma_semaphore, #tpu.memory_space<semaphore_mem>>) src(%arg2 : memref<12288xf32, #tpu.memory_space<hbm>>) dst(%dma_wait3A_38 : memref<12288xf32, #tpu.memory_space<vmem>>)
    %scan3A_39 = arith.constant 0 : i32
    %scan3A_40 = arith.constant 0 : i32
    %scan3A_41 = arith.constant 8 : i32
    %scan3A_42 = arith.addi %scan3A_40, %scan3A_41 : i32
    %scan3A_43 = arith.constant 1 : i32
    scf.for %scan3A_77 = %scan3A_40 to %scan3A_42 step %scan3A_43  : i32 {
      %add3A_78 = arith.constant 16 : i32
      %add3A_79 = arith.addi %add3A_78, %mul3A_2 : i32
      %mul3A_80 = arith.constant 16 : i32
      %mul3A_81 = arith.muli %scan3A_77, %mul3A_80 : i32
      %add3A_82 = arith.addi %add3A_79, %mul3A_81 : i32
      %get3A = arith.index_cast %add3A_82 : i32 to index
      %get3A_83 = tpu.vector_load %arg7[%get3A] {strides = array<i32>} : memref<4128xi32, #tpu.memory_space<vmem>>, vector<16xi32>,
      %gather3A = tpu.vector_load_idx %arg13[%get3A_83] : memref<144xi32, #tpu.memory_space<vmem>>[vector<16xi32>], vector<16xi32>,
      %sub3A = arith.constant 1 : i32
      %sub3A_84 = vector.broadcast %sub3A : i32 to vector<16xi32>
      %sub3A_85 = arith.subi %gather3A, %sub3A_84 : vector<16xi32>
      %mul3A_86 = arith.constant 16 : i32
      %mul3A_87 = arith.muli %scan3A_77, %mul3A_86 : i32
      %swap3A_88 = arith.index_cast %mul3A_87 : i32 to index
      %swap3A_89 = tpu.vector_load %arg16[%swap3A_88] {strides = array<i32>} : memref<144xi32, #tpu.memory_space<vmem>>, vector<16xi32>,
      tpu.vector_store %arg16[%swap3A_88], %sub3A_85 {strides = array<i32>} : memref<144xi32, #tpu.memory_space<vmem>>, vector<16xi32>,
      %gather3A_90 = tpu.vector_load_idx %arg14[%get3A_83] : memref<144xi32, #tpu.memory_space<vmem>>[vector<16xi32>], vector<16xi32>,
      %mul3A_91 = arith.constant 16 : i32
      %mul3A_92 = arith.muli %scan3A_77, %mul3A_91 : i32
      %swap3A_93 = arith.index_cast %mul3A_92 : i32 to index
      %swap3A_94 = tpu.vector_load %arg17[%swap3A_93] {strides = array<i32>} : memref<144xi32, #tpu.memory_space<vmem>>, vector<16xi32>,
      tpu.vector_store %arg17[%swap3A_93], %gather3A_90 {strides = array<i32>} : memref<144xi32, #tpu.memory_space<vmem>>, vector<16xi32>,
    }
    %scan3A_44 = arith.constant 8 : i32
    %parallel_loop3A = arith.constant 0 : i32
    %parallel_loop3A_45 = arith.constant 128 : i32
    %parallel_loop3A_46 = arith.constant 1 : i32
    scf.for %parallel_loop3A_77 = %parallel_loop3A to %parallel_loop3A_45 step %parallel_loop3A_46  : i32 {
      %parallel_loop3A_78 = arith.constant 1 : i32
      %parallel_loop3A_79 = arith.andi %parallel_loop3A_77, %parallel_loop3A_78 : i32
      %parallel_loop3A_80 = arith.constant 4160 : i32
      %parallel_loop3A_81 = arith.muli %parallel_loop3A_79, %parallel_loop3A_80 : i32
      %parallel_loop3A_82 = arith.addi %mul3A_2, %parallel_loop3A_77 : i32
      %parallel_loop3A_83 = arith.index_cast %parallel_loop3A_82 : i32 to index
      %parallel_loop3A_84 = tpu.vector_load %arg6[%parallel_loop3A_83] {strides = array<i32>} : memref<12336xf32, #tpu.memory_space<vmem>>, vector<16xf32>,
      %parallel_loop3A_85 = vector.extract_strided_slice %parallel_loop3A_84 {offsets = [0], sizes = [1], strides = [1]} : vector<16xf32> to vector<1xf32>
      %parallel_loop3A_86 = vector.extract %parallel_loop3A_85[0] : f32 from vector<1xf32>
      %parallel_loop3A_87 = arith.constant 4096 : i32
      %parallel_loop3A_88 = arith.addi %parallel_loop3A_87, %parallel_loop3A_82 : i32
      %parallel_loop3A_89 = arith.index_cast %parallel_loop3A_88 : i32 to index
      %parallel_loop3A_90 = tpu.vector_load %arg6[%parallel_loop3A_89] {strides = array<i32>} : memref<12336xf32, #tpu.memory_space<vmem>>, vector<16xf32>,
      %parallel_loop3A_91 = vector.extract_strided_slice %parallel_loop3A_90 {offsets = [0], sizes = [1], strides = [1]} : vector<16xf32> to vector<1xf32>
      %parallel_loop3A_92 = vector.extract %parallel_loop3A_91[0] : f32 from vector<1xf32>
      %parallel_loop3A_93 = arith.constant 8192 : i32
      %parallel_loop3A_94 = arith.addi %parallel_loop3A_93, %parallel_loop3A_82 : i32
      %parallel_loop3A_95 = arith.index_cast %parallel_loop3A_94 : i32 to index
      %parallel_loop3A_96 = tpu.vector_load %arg6[%parallel_loop3A_95] {strides = array<i32>} : memref<12336xf32, #tpu.memory_space<vmem>>, vector<16xf32>,
      %parallel_loop3A_97 = vector.extract_strided_slice %parallel_loop3A_96 {offsets = [0], sizes = [1], strides = [1]} : vector<16xf32> to vector<1xf32>
      %parallel_loop3A_98 = vector.extract %parallel_loop3A_97[0] : f32 from vector<1xf32>
      %parallel_loop3A_99 = arith.index_cast %parallel_loop3A_77 : i32 to index
      %parallel_loop3A_100 = tpu.vector_load %arg16[%parallel_loop3A_99] {strides = array<i32>} : memref<144xi32, #tpu.memory_space<vmem>>, vector<16xi32>,
      %parallel_loop3A_101 = vector.extract_strided_slice %parallel_loop3A_100 {offsets = [0], sizes = [1], strides = [1]} : vector<16xi32> to vector<1xi32>
      %parallel_loop3A_102 = vector.extract %parallel_loop3A_101[0] : i32 from vector<1xi32>
      %parallel_loop3A_103 = arith.index_cast %parallel_loop3A_77 : i32 to index
      %parallel_loop3A_104 = tpu.vector_load %arg17[%parallel_loop3A_103] {strides = array<i32>} : memref<144xi32, #tpu.memory_space<vmem>>, vector<16xi32>,
      %parallel_loop3A_105 = vector.extract_strided_slice %parallel_loop3A_104 {offsets = [0], sizes = [1], strides = [1]} : vector<16xi32> to vector<1xi32>
      %parallel_loop3A_106 = vector.extract %parallel_loop3A_105[0] : i32 from vector<1xi32>
      %parallel_loop3A_107 = arith.subi %parallel_loop3A_106, %parallel_loop3A_102 : i32
      %parallel_loop3A_108 = arith.constant 15 : i32
      %parallel_loop3A_109 = arith.addi %parallel_loop3A_107, %parallel_loop3A_108 : i32
      %parallel_loop3A_110 = arith.constant 4 : i32
      %parallel_loop3A_111 = arith.shrsi %parallel_loop3A_109, %parallel_loop3A_110 : i32
      %parallel_loop3A_112 = arith.constant 2 : i32
      %parallel_loop3A_113 = arith.cmpi sle, %parallel_loop3A_111, %parallel_loop3A_112 : i32
      %parallel_loop3A_114 = arith.extui %parallel_loop3A_113 : i1 to i32
      %parallel_loop3A_115 = arith.constant 0 : i32
      %parallel_loop3A_116 = arith.cmpi ne, %parallel_loop3A_114, %parallel_loop3A_115 : i32
      %parallel_loop3A_117:5 = scf.if %parallel_loop3A_116 -> (vector<16xf32>, vector<16xi32>, vector<16xf32>, vector<16xi32>, i32) {
        %parallel_loop3A_247 = vector.broadcast %parallel_loop3A_102 : i32 to vector<16xi32>
        %parallel_loop3A_248 = arith.addi %parallel_loop3A_247, %iota3A : vector<16xi32>
        %parallel_loop3A_249 = arith.index_cast %parallel_loop3A_102 : i32 to index
        %parallel_loop3A_250 = tpu.vector_load %arg6[%parallel_loop3A_249] {strides = array<i32>} : memref<12336xf32, #tpu.memory_space<vmem>>, vector<16xf32>,
        %parallel_loop3A_251 = arith.constant 4096 : i32
        %parallel_loop3A_252 = arith.addi %parallel_loop3A_251, %parallel_loop3A_102 : i32
        %parallel_loop3A_253 = arith.index_cast %parallel_loop3A_252 : i32 to index
        %parallel_loop3A_254 = tpu.vector_load %arg6[%parallel_loop3A_253] {strides = array<i32>} : memref<12336xf32, #tpu.memory_space<vmem>>, vector<16xf32>,
        %parallel_loop3A_255 = arith.constant 8192 : i32
        %parallel_loop3A_256 = arith.addi %parallel_loop3A_255, %parallel_loop3A_102 : i32
        %parallel_loop3A_257 = arith.index_cast %parallel_loop3A_256 : i32 to index
        %parallel_loop3A_258 = tpu.vector_load %arg6[%parallel_loop3A_257] {strides = array<i32>} : memref<12336xf32, #tpu.memory_space<vmem>>, vector<16xf32>,
        %parallel_loop3A_259 = vector.broadcast %parallel_loop3A_86 : f32 to vector<16xf32>
        %parallel_loop3A_260 = arith.subf %parallel_loop3A_259, %parallel_loop3A_250 : vector<16xf32>
        %parallel_loop3A_261 = vector.broadcast %parallel_loop3A_92 : f32 to vector<16xf32>
        %parallel_loop3A_262 = arith.subf %parallel_loop3A_261, %parallel_loop3A_254 : vector<16xf32>
        %parallel_loop3A_263 = vector.broadcast %parallel_loop3A_98 : f32 to vector<16xf32>
        %parallel_loop3A_264 = arith.subf %parallel_loop3A_263, %parallel_loop3A_258 : vector<16xf32>
        %parallel_loop3A_265 = arith.mulf %parallel_loop3A_260, %parallel_loop3A_260 : vector<16xf32>
        %parallel_loop3A_266 = arith.mulf %parallel_loop3A_262, %parallel_loop3A_262 : vector<16xf32>
        %parallel_loop3A_267 = arith.addf %parallel_loop3A_265, %parallel_loop3A_266 : vector<16xf32>
        %parallel_loop3A_268 = arith.mulf %parallel_loop3A_264, %parallel_loop3A_264 : vector<16xf32>
        %parallel_loop3A_269 = arith.addf %parallel_loop3A_267, %parallel_loop3A_268 : vector<16xf32>
        %parallel_loop3A_270 = vector.broadcast %parallel_loop3A_106 : i32 to vector<16xi32>
        %parallel_loop3A_271 = arith.cmpi slt, %parallel_loop3A_248, %parallel_loop3A_270 : vector<16xi32>
        %parallel_loop3A_272 = vector.broadcast %parallel_loop3A_82 : i32 to vector<16xi32>
        %parallel_loop3A_273 = arith.cmpi ne, %parallel_loop3A_248, %parallel_loop3A_272 : vector<16xi32>
        %parallel_loop3A_274 = arith.andi %parallel_loop3A_271, %parallel_loop3A_273 : vector<16xi1>
        %parallel_loop3A_275 = arith.constant 1.000000e+02 : f32
        %parallel_loop3A_276 = vector.broadcast %parallel_loop3A_275 : f32 to vector<16xf32>
        %parallel_loop3A_277 = arith.cmpf ole, %parallel_loop3A_269, %parallel_loop3A_276 : vector<16xf32>
        %parallel_loop3A_278 = arith.andi %parallel_loop3A_274, %parallel_loop3A_277 : vector<16xi1>
        %parallel_loop3A_279 = arith.constant 1.000000e+10 : f32
        %parallel_loop3A_280 = vector.broadcast %parallel_loop3A_279 : f32 to vector<16xf32>
        %parallel_loop3A_281 = arith.select %parallel_loop3A_278, %parallel_loop3A_269, %parallel_loop3A_280 : vector<16xi1>, vector<16xf32>
        %parallel_loop3A_282 = arith.constant 16 : i32
        %parallel_loop3A_283 = arith.addi %parallel_loop3A_102, %parallel_loop3A_282 : i32
        %parallel_loop3A_284 = vector.broadcast %parallel_loop3A_283 : i32 to vector<16xi32>
        %parallel_loop3A_285 = arith.addi %parallel_loop3A_284, %iota3A : vector<16xi32>
        %parallel_loop3A_286 = arith.index_cast %parallel_loop3A_283 : i32 to index
        %parallel_loop3A_287 = tpu.vector_load %arg6[%parallel_loop3A_286] {strides = array<i32>} : memref<12336xf32, #tpu.memory_space<vmem>>, vector<16xf32>,
        %parallel_loop3A_288 = arith.constant 4096 : i32
        %parallel_loop3A_289 = arith.addi %parallel_loop3A_288, %parallel_loop3A_283 : i32
        %parallel_loop3A_290 = arith.index_cast %parallel_loop3A_289 : i32 to index
        %parallel_loop3A_291 = tpu.vector_load %arg6[%parallel_loop3A_290] {strides = array<i32>} : memref<12336xf32, #tpu.memory_space<vmem>>, vector<16xf32>,
        %parallel_loop3A_292 = arith.constant 8192 : i32
        %parallel_loop3A_293 = arith.addi %parallel_loop3A_292, %parallel_loop3A_283 : i32
        %parallel_loop3A_294 = arith.index_cast %parallel_loop3A_293 : i32 to index
        %parallel_loop3A_295 = tpu.vector_load %arg6[%parallel_loop3A_294] {strides = array<i32>} : memref<12336xf32, #tpu.memory_space<vmem>>, vector<16xf32>,
        %parallel_loop3A_296 = vector.broadcast %parallel_loop3A_86 : f32 to vector<16xf32>
        %parallel_loop3A_297 = arith.subf %parallel_loop3A_296, %parallel_loop3A_287 : vector<16xf32>
        %parallel_loop3A_298 = vector.broadcast %parallel_loop3A_92 : f32 to vector<16xf32>
        %parallel_loop3A_299 = arith.subf %parallel_loop3A_298, %parallel_loop3A_291 : vector<16xf32>
        %parallel_loop3A_300 = vector.broadcast %parallel_loop3A_98 : f32 to vector<16xf32>
        %parallel_loop3A_301 = arith.subf %parallel_loop3A_300, %parallel_loop3A_295 : vector<16xf32>
        %parallel_loop3A_302 = arith.mulf %parallel_loop3A_297, %parallel_loop3A_297 : vector<16xf32>
        %parallel_loop3A_303 = arith.mulf %parallel_loop3A_299, %parallel_loop3A_299 : vector<16xf32>
        %parallel_loop3A_304 = arith.addf %parallel_loop3A_302, %parallel_loop3A_303 : vector<16xf32>
        %parallel_loop3A_305 = arith.mulf %parallel_loop3A_301, %parallel_loop3A_301 : vector<16xf32>
        %parallel_loop3A_306 = arith.addf %parallel_loop3A_304, %parallel_loop3A_305 : vector<16xf32>
        %parallel_loop3A_307 = vector.broadcast %parallel_loop3A_106 : i32 to vector<16xi32>
        %parallel_loop3A_308 = arith.cmpi slt, %parallel_loop3A_285, %parallel_loop3A_307 : vector<16xi32>
        %parallel_loop3A_309 = vector.broadcast %parallel_loop3A_82 : i32 to vector<16xi32>
        %parallel_loop3A_310 = arith.cmpi ne, %parallel_loop3A_285, %parallel_loop3A_309 : vector<16xi32>
        %parallel_loop3A_311 = arith.andi %parallel_loop3A_308, %parallel_loop3A_310 : vector<16xi1>
        %parallel_loop3A_312 = arith.constant 1.000000e+02 : f32
        %parallel_loop3A_313 = vector.broadcast %parallel_loop3A_312 : f32 to vector<16xf32>
        %parallel_loop3A_314 = arith.cmpf ole, %parallel_loop3A_306, %parallel_loop3A_313 : vector<16xf32>
        %parallel_loop3A_315 = arith.andi %parallel_loop3A_311, %parallel_loop3A_314 : vector<16xi1>
        %parallel_loop3A_316 = arith.constant 1.000000e+10 : f32
        %parallel_loop3A_317 = vector.broadcast %parallel_loop3A_316 : f32 to vector<16xf32>
        %parallel_loop3A_318 = arith.select %parallel_loop3A_315, %parallel_loop3A_306, %parallel_loop3A_317 : vector<16xi1>, vector<16xf32>
        %parallel_loop3A_319 = arith.constant 32 : i32
        scf.yield %parallel_loop3A_281, %parallel_loop3A_248, %parallel_loop3A_318, %parallel_loop3A_285, %parallel_loop3A_319 : vector<16xf32>, vector<16xi32>, vector<16xf32>, vector<16xi32>, i32
      } else {
        %parallel_loop3A_247 = arith.constant 3 : i32
        %parallel_loop3A_248 = arith.cmpi eq, %parallel_loop3A_111, %parallel_loop3A_247 : i32
        %parallel_loop3A_249 = arith.extui %parallel_loop3A_248 : i1 to i32
        %parallel_loop3A_250 = arith.constant 0 : i32
        %parallel_loop3A_251 = arith.cmpi ne, %parallel_loop3A_249, %parallel_loop3A_250 : i32
        %parallel_loop3A_252:5 = scf.if %parallel_loop3A_251 -> (vector<16xf32>, vector<16xi32>, vector<16xf32>, vector<16xi32>, i32) {
          %parallel_loop3A_253 = vector.broadcast %parallel_loop3A_102 : i32 to vector<16xi32>
          %parallel_loop3A_254 = arith.addi %parallel_loop3A_253, %iota3A : vector<16xi32>
          %parallel_loop3A_255 = arith.index_cast %parallel_loop3A_102 : i32 to index
          %parallel_loop3A_256 = tpu.vector_load %arg6[%parallel_loop3A_255] {strides = array<i32>} : memref<12336xf32, #tpu.memory_space<vmem>>, vector<16xf32>,
          %parallel_loop3A_257 = arith.constant 4096 : i32
          %parallel_loop3A_258 = arith.addi %parallel_loop3A_257, %parallel_loop3A_102 : i32
          %parallel_loop3A_259 = arith.index_cast %parallel_loop3A_258 : i32 to index
          %parallel_loop3A_260 = tpu.vector_load %arg6[%parallel_loop3A_259] {strides = array<i32>} : memref<12336xf32, #tpu.memory_space<vmem>>, vector<16xf32>,
          %parallel_loop3A_261 = arith.constant 8192 : i32
          %parallel_loop3A_262 = arith.addi %parallel_loop3A_261, %parallel_loop3A_102 : i32
          %parallel_loop3A_263 = arith.index_cast %parallel_loop3A_262 : i32 to index
          %parallel_loop3A_264 = tpu.vector_load %arg6[%parallel_loop3A_263] {strides = array<i32>} : memref<12336xf32, #tpu.memory_space<vmem>>, vector<16xf32>,
          %parallel_loop3A_265 = vector.broadcast %parallel_loop3A_86 : f32 to vector<16xf32>
          %parallel_loop3A_266 = arith.subf %parallel_loop3A_265, %parallel_loop3A_256 : vector<16xf32>
          %parallel_loop3A_267 = vector.broadcast %parallel_loop3A_92 : f32 to vector<16xf32>
          %parallel_loop3A_268 = arith.subf %parallel_loop3A_267, %parallel_loop3A_260 : vector<16xf32>
          %parallel_loop3A_269 = vector.broadcast %parallel_loop3A_98 : f32 to vector<16xf32>
          %parallel_loop3A_270 = arith.subf %parallel_loop3A_269, %parallel_loop3A_264 : vector<16xf32>
          %parallel_loop3A_271 = arith.mulf %parallel_loop3A_266, %parallel_loop3A_266 : vector<16xf32>
          %parallel_loop3A_272 = arith.mulf %parallel_loop3A_268, %parallel_loop3A_268 : vector<16xf32>
          %parallel_loop3A_273 = arith.addf %parallel_loop3A_271, %parallel_loop3A_272 : vector<16xf32>
          %parallel_loop3A_274 = arith.mulf %parallel_loop3A_270, %parallel_loop3A_270 : vector<16xf32>
          %parallel_loop3A_275 = arith.addf %parallel_loop3A_273, %parallel_loop3A_274 : vector<16xf32>
          %parallel_loop3A_276 = vector.broadcast %parallel_loop3A_106 : i32 to vector<16xi32>
          %parallel_loop3A_277 = arith.cmpi slt, %parallel_loop3A_254, %parallel_loop3A_276 : vector<16xi32>
          %parallel_loop3A_278 = vector.broadcast %parallel_loop3A_82 : i32 to vector<16xi32>
          %parallel_loop3A_279 = arith.cmpi ne, %parallel_loop3A_254, %parallel_loop3A_278 : vector<16xi32>
          %parallel_loop3A_280 = arith.andi %parallel_loop3A_277, %parallel_loop3A_279 : vector<16xi1>
          %parallel_loop3A_281 = arith.constant 1.000000e+02 : f32
          %parallel_loop3A_282 = vector.broadcast %parallel_loop3A_281 : f32 to vector<16xf32>
          %parallel_loop3A_283 = arith.cmpf ole, %parallel_loop3A_275, %parallel_loop3A_282 : vector<16xf32>
          %parallel_loop3A_284 = arith.andi %parallel_loop3A_280, %parallel_loop3A_283 : vector<16xi1>
          %parallel_loop3A_285 = arith.constant 1.000000e+10 : f32
          %parallel_loop3A_286 = vector.broadcast %parallel_loop3A_285 : f32 to vector<16xf32>
          %parallel_loop3A_287 = arith.select %parallel_loop3A_284, %parallel_loop3A_275, %parallel_loop3A_286 : vector<16xi1>, vector<16xf32>
          %parallel_loop3A_288 = arith.constant 16 : i32
          %parallel_loop3A_289 = arith.addi %parallel_loop3A_102, %parallel_loop3A_288 : i32
          %parallel_loop3A_290 = vector.broadcast %parallel_loop3A_289 : i32 to vector<16xi32>
          %parallel_loop3A_291 = arith.addi %parallel_loop3A_290, %iota3A : vector<16xi32>
          %parallel_loop3A_292 = arith.index_cast %parallel_loop3A_289 : i32 to index
          %parallel_loop3A_293 = tpu.vector_load %arg6[%parallel_loop3A_292] {strides = array<i32>} : memref<12336xf32, #tpu.memory_space<vmem>>, vector<16xf32>,
          %parallel_loop3A_294 = arith.constant 4096 : i32
          %parallel_loop3A_295 = arith.addi %parallel_loop3A_294, %parallel_loop3A_289 : i32
          %parallel_loop3A_296 = arith.index_cast %parallel_loop3A_295 : i32 to index
          %parallel_loop3A_297 = tpu.vector_load %arg6[%parallel_loop3A_296] {strides = array<i32>} : memref<12336xf32, #tpu.memory_space<vmem>>, vector<16xf32>,
          %parallel_loop3A_298 = arith.constant 8192 : i32
          %parallel_loop3A_299 = arith.addi %parallel_loop3A_298, %parallel_loop3A_289 : i32
          %parallel_loop3A_300 = arith.index_cast %parallel_loop3A_299 : i32 to index
          %parallel_loop3A_301 = tpu.vector_load %arg6[%parallel_loop3A_300] {strides = array<i32>} : memref<12336xf32, #tpu.memory_space<vmem>>, vector<16xf32>,
          %parallel_loop3A_302 = vector.broadcast %parallel_loop3A_86 : f32 to vector<16xf32>
          %parallel_loop3A_303 = arith.subf %parallel_loop3A_302, %parallel_loop3A_293 : vector<16xf32>
          %parallel_loop3A_304 = vector.broadcast %parallel_loop3A_92 : f32 to vector<16xf32>
          %parallel_loop3A_305 = arith.subf %parallel_loop3A_304, %parallel_loop3A_297 : vector<16xf32>
          %parallel_loop3A_306 = vector.broadcast %parallel_loop3A_98 : f32 to vector<16xf32>
          %parallel_loop3A_307 = arith.subf %parallel_loop3A_306, %parallel_loop3A_301 : vector<16xf32>
          %parallel_loop3A_308 = arith.mulf %parallel_loop3A_303, %parallel_loop3A_303 : vector<16xf32>
          %parallel_loop3A_309 = arith.mulf %parallel_loop3A_305, %parallel_loop3A_305 : vector<16xf32>
          %parallel_loop3A_310 = arith.addf %parallel_loop3A_308, %parallel_loop3A_309 : vector<16xf32>
          %parallel_loop3A_311 = arith.mulf %parallel_loop3A_307, %parallel_loop3A_307 : vector<16xf32>
          %parallel_loop3A_312 = arith.addf %parallel_loop3A_310, %parallel_loop3A_311 : vector<16xf32>
          %parallel_loop3A_313 = vector.broadcast %parallel_loop3A_106 : i32 to vector<16xi32>
          %parallel_loop3A_314 = arith.cmpi slt, %parallel_loop3A_291, %parallel_loop3A_313 : vector<16xi32>
          %parallel_loop3A_315 = vector.broadcast %parallel_loop3A_82 : i32 to vector<16xi32>
          %parallel_loop3A_316 = arith.cmpi ne, %parallel_loop3A_291, %parallel_loop3A_315 : vector<16xi32>
          %parallel_loop3A_317 = arith.andi %parallel_loop3A_314, %parallel_loop3A_316 : vector<16xi1>
          %parallel_loop3A_318 = arith.constant 1.000000e+02 : f32
          %parallel_loop3A_319 = vector.broadcast %parallel_loop3A_318 : f32 to vector<16xf32>
          %parallel_loop3A_320 = arith.cmpf ole, %parallel_loop3A_312, %parallel_loop3A_319 : vector<16xf32>
          %parallel_loop3A_321 = arith.andi %parallel_loop3A_317, %parallel_loop3A_320 : vector<16xi1>
          %parallel_loop3A_322 = arith.constant 1.000000e+10 : f32
          %parallel_loop3A_323 = vector.broadcast %parallel_loop3A_322 : f32 to vector<16xf32>
          %parallel_loop3A_324 = arith.select %parallel_loop3A_321, %parallel_loop3A_312, %parallel_loop3A_323 : vector<16xi1>, vector<16xf32>
          %parallel_loop3A_325 = arith.constant 32 : i32
          %parallel_loop3A_326 = arith.addi %parallel_loop3A_102, %parallel_loop3A_325 : i32
          %parallel_loop3A_327 = vector.broadcast %parallel_loop3A_326 : i32 to vector<16xi32>
          %parallel_loop3A_328 = arith.addi %parallel_loop3A_327, %iota3A : vector<16xi32>
          %parallel_loop3A_329 = arith.index_cast %parallel_loop3A_326 : i32 to index
          %parallel_loop3A_330 = tpu.vector_load %arg6[%parallel_loop3A_329] {strides = array<i32>} : memref<12336xf32, #tpu.memory_space<vmem>>, vector<16xf32>,
          %parallel_loop3A_331 = arith.constant 4096 : i32
          %parallel_loop3A_332 = arith.addi %parallel_loop3A_331, %parallel_loop3A_326 : i32
          %parallel_loop3A_333 = arith.index_cast %parallel_loop3A_332 : i32 to index
          %parallel_loop3A_334 = tpu.vector_load %arg6[%parallel_loop3A_333] {strides = array<i32>} : memref<12336xf32, #tpu.memory_space<vmem>>, vector<16xf32>,
          %parallel_loop3A_335 = arith.constant 8192 : i32
          %parallel_loop3A_336 = arith.addi %parallel_loop3A_335, %parallel_loop3A_326 : i32
          %parallel_loop3A_337 = arith.index_cast %parallel_loop3A_336 : i32 to index
          %parallel_loop3A_338 = tpu.vector_load %arg6[%parallel_loop3A_337] {strides = array<i32>} : memref<12336xf32, #tpu.memory_space<vmem>>, vector<16xf32>,
          %parallel_loop3A_339 = vector.broadcast %parallel_loop3A_86 : f32 to vector<16xf32>
          %parallel_loop3A_340 = arith.subf %parallel_loop3A_339, %parallel_loop3A_330 : vector<16xf32>
          %parallel_loop3A_341 = vector.broadcast %parallel_loop3A_92 : f32 to vector<16xf32>
          %parallel_loop3A_342 = arith.subf %parallel_loop3A_341, %parallel_loop3A_334 : vector<16xf32>
          %parallel_loop3A_343 = vector.broadcast %parallel_loop3A_98 : f32 to vector<16xf32>
          %parallel_loop3A_344 = arith.subf %parallel_loop3A_343, %parallel_loop3A_338 : vector<16xf32>
          %parallel_loop3A_345 = arith.mulf %parallel_loop3A_340, %parallel_loop3A_340 : vector<16xf32>
          %parallel_loop3A_346 = arith.mulf %parallel_loop3A_342, %parallel_loop3A_342 : vector<16xf32>
          %parallel_loop3A_347 = arith.addf %parallel_loop3A_345, %parallel_loop3A_346 : vector<16xf32>
          %parallel_loop3A_348 = arith.mulf %parallel_loop3A_344, %parallel_loop3A_344 : vector<16xf32>
          %parallel_loop3A_349 = arith.addf %parallel_loop3A_347, %parallel_loop3A_348 : vector<16xf32>
          %parallel_loop3A_350 = vector.broadcast %parallel_loop3A_106 : i32 to vector<16xi32>
          %parallel_loop3A_351 = arith.cmpi slt, %parallel_loop3A_328, %parallel_loop3A_350 : vector<16xi32>
          %parallel_loop3A_352 = vector.broadcast %parallel_loop3A_82 : i32 to vector<16xi32>
          %parallel_loop3A_353 = arith.cmpi ne, %parallel_loop3A_328, %parallel_loop3A_352 : vector<16xi32>
          %parallel_loop3A_354 = arith.andi %parallel_loop3A_351, %parallel_loop3A_353 : vector<16xi1>
          %parallel_loop3A_355 = arith.constant 1.000000e+02 : f32
          %parallel_loop3A_356 = vector.broadcast %parallel_loop3A_355 : f32 to vector<16xf32>
          %parallel_loop3A_357 = arith.cmpf ole, %parallel_loop3A_349, %parallel_loop3A_356 : vector<16xf32>
          %parallel_loop3A_358 = arith.andi %parallel_loop3A_354, %parallel_loop3A_357 : vector<16xi1>
          %parallel_loop3A_359 = arith.constant 1.000000e+10 : f32
          %parallel_loop3A_360 = vector.broadcast %parallel_loop3A_359 : f32 to vector<16xf32>
          %parallel_loop3A_361 = arith.select %parallel_loop3A_358, %parallel_loop3A_349, %parallel_loop3A_360 : vector<16xi1>, vector<16xf32>
          %parallel_loop3A_362 = arith.constant 32 : i32
          %parallel_loop3A_363 = arith.addi %parallel_loop3A_81, %parallel_loop3A_362 : i32
          %parallel_loop3A_364 = arith.index_cast %parallel_loop3A_363 : i32 to index
          %parallel_loop3A_365 = tpu.vector_load %arg8[%parallel_loop3A_364] {strides = array<i32>} : memref<8320xf32, #tpu.memory_space<vmem>>, vector<16xf32>,
          tpu.vector_store %arg8[%parallel_loop3A_364], %parallel_loop3A_361 {strides = array<i32>} : memref<8320xf32, #tpu.memory_space<vmem>>, vector<16xf32>,
          %parallel_loop3A_366 = arith.constant 32 : i32
          %parallel_loop3A_367 = arith.addi %parallel_loop3A_81, %parallel_loop3A_366 : i32
          %parallel_loop3A_368 = arith.index_cast %parallel_loop3A_367 : i32 to index
          %parallel_loop3A_369 = tpu.vector_load %arg9[%parallel_loop3A_368] {strides = array<i32>} : memref<8320xi32, #tpu.memory_space<vmem>>, vector<16xi32>,
          tpu.vector_store %arg9[%parallel_loop3A_368], %parallel_loop3A_328 {strides = array<i32>} : memref<8320xi32, #tpu.memory_space<vmem>>, vector<16xi32>,
          %parallel_loop3A_370 = arith.constant 48 : i32
          scf.yield %parallel_loop3A_287, %parallel_loop3A_254, %parallel_loop3A_324, %parallel_loop3A_291, %parallel_loop3A_370 : vector<16xf32>, vector<16xi32>, vector<16xf32>, vector<16xi32>, i32
        } else {
          %parallel_loop3A_253 = arith.constant 0 : i32
          %parallel_loop3A_254 = arith.constant 0 : i32
          %parallel_loop3A_255 = arith.subi %parallel_loop3A_111, %parallel_loop3A_253 : i32
          %parallel_loop3A_256 = arith.addi %parallel_loop3A_253, %parallel_loop3A_255 : i32
          %parallel_loop3A_257 = arith.constant 1 : i32
          %parallel_loop3A_258 = arith.divsi %parallel_loop3A_255, %parallel_loop3A_257 : i32
          %parallel_loop3A_259 = arith.muli %parallel_loop3A_258, %parallel_loop3A_257 : i32
          %parallel_loop3A_260 = arith.addi %parallel_loop3A_253, %parallel_loop3A_259 : i32
          %parallel_loop3A_261 = arith.constant 1 : i32
          %parallel_loop3A_262 = scf.for %while3A_285 = %parallel_loop3A_253 to %parallel_loop3A_260 step %parallel_loop3A_261 iter_args(%while3A_286 = %parallel_loop3A_254) -> (i32)  : i32 {
            %parallel_loop3A_287 = arith.constant 16 : i32
            %parallel_loop3A_288 = arith.muli %while3A_285, %parallel_loop3A_287 : i32
            %parallel_loop3A_289 = arith.addi %parallel_loop3A_102, %parallel_loop3A_288 : i32
            %parallel_loop3A_290 = vector.broadcast %parallel_loop3A_289 : i32 to vector<16xi32>
            %parallel_loop3A_291 = arith.addi %parallel_loop3A_290, %iota3A : vector<16xi32>
            %parallel_loop3A_292 = arith.index_cast %parallel_loop3A_289 : i32 to index
            %parallel_loop3A_293 = tpu.vector_load %arg6[%parallel_loop3A_292] {strides = array<i32>} : memref<12336xf32, #tpu.memory_space<vmem>>, vector<16xf32>,
            %parallel_loop3A_294 = arith.constant 4096 : i32
            %parallel_loop3A_295 = arith.addi %parallel_loop3A_294, %parallel_loop3A_289 : i32
            %parallel_loop3A_296 = arith.index_cast %parallel_loop3A_295 : i32 to index
            %parallel_loop3A_297 = tpu.vector_load %arg6[%parallel_loop3A_296] {strides = array<i32>} : memref<12336xf32, #tpu.memory_space<vmem>>, vector<16xf32>,
            %parallel_loop3A_298 = arith.constant 8192 : i32
            %parallel_loop3A_299 = arith.addi %parallel_loop3A_298, %parallel_loop3A_289 : i32
            %parallel_loop3A_300 = arith.index_cast %parallel_loop3A_299 : i32 to index
            %parallel_loop3A_301 = tpu.vector_load %arg6[%parallel_loop3A_300] {strides = array<i32>} : memref<12336xf32, #tpu.memory_space<vmem>>, vector<16xf32>,
            %parallel_loop3A_302 = vector.broadcast %parallel_loop3A_86 : f32 to vector<16xf32>
            %parallel_loop3A_303 = arith.subf %parallel_loop3A_302, %parallel_loop3A_293 : vector<16xf32>
            %parallel_loop3A_304 = vector.broadcast %parallel_loop3A_92 : f32 to vector<16xf32>
            %parallel_loop3A_305 = arith.subf %parallel_loop3A_304, %parallel_loop3A_297 : vector<16xf32>
            %parallel_loop3A_306 = vector.broadcast %parallel_loop3A_98 : f32 to vector<16xf32>
            %parallel_loop3A_307 = arith.subf %parallel_loop3A_306, %parallel_loop3A_301 : vector<16xf32>
            %parallel_loop3A_308 = arith.mulf %parallel_loop3A_303, %parallel_loop3A_303 : vector<16xf32>
            %parallel_loop3A_309 = arith.mulf %parallel_loop3A_305, %parallel_loop3A_305 : vector<16xf32>
            %parallel_loop3A_310 = arith.addf %parallel_loop3A_308, %parallel_loop3A_309 : vector<16xf32>
            %parallel_loop3A_311 = arith.mulf %parallel_loop3A_307, %parallel_loop3A_307 : vector<16xf32>
            %parallel_loop3A_312 = arith.addf %parallel_loop3A_310, %parallel_loop3A_311 : vector<16xf32>
            %parallel_loop3A_313 = vector.broadcast %parallel_loop3A_106 : i32 to vector<16xi32>
            %parallel_loop3A_314 = arith.cmpi slt, %parallel_loop3A_291, %parallel_loop3A_313 : vector<16xi32>
            %parallel_loop3A_315 = vector.broadcast %parallel_loop3A_82 : i32 to vector<16xi32>
            %parallel_loop3A_316 = arith.cmpi ne, %parallel_loop3A_291, %parallel_loop3A_315 : vector<16xi32>
            %parallel_loop3A_317 = arith.andi %parallel_loop3A_314, %parallel_loop3A_316 : vector<16xi1>
            %parallel_loop3A_318 = arith.constant 1.000000e+02 : f32
            %parallel_loop3A_319 = vector.broadcast %parallel_loop3A_318 : f32 to vector<16xf32>
            %parallel_loop3A_320 = arith.cmpf ole, %parallel_loop3A_312, %parallel_loop3A_319 : vector<16xf32>
            %parallel_loop3A_321 = arith.andi %parallel_loop3A_317, %parallel_loop3A_320 : vector<16xi1>
            %parallel_loop3A_322 = arith.constant 1.000000e+10 : f32
            %parallel_loop3A_323 = vector.broadcast %parallel_loop3A_322 : f32 to vector<16xf32>
            %parallel_loop3A_324 = arith.select %parallel_loop3A_321, %parallel_loop3A_312, %parallel_loop3A_323 : vector<16xi1>, vector<16xf32>
            %parallel_loop3A_325 = arith.addi %parallel_loop3A_81, %while3A_286 : i32
            %parallel_loop3A_326 = arith.index_cast %parallel_loop3A_325 : i32 to index
            %parallel_loop3A_327 = tpu.vector_load %arg8[%parallel_loop3A_326] masked %parallel_loop3A_321 {strides = array<i32>} : memref<8320xf32, #tpu.memory_space<vmem>>, vector<16xf32>, vector<16xi1>
            tpu.vector_store %arg8[%parallel_loop3A_326], %parallel_loop3A_324 masked %parallel_loop3A_321 {strides = array<i32>} : memref<8320xf32, #tpu.memory_space<vmem>>, vector<16xf32>, vector<16xi1>
            %parallel_loop3A_328 = arith.addi %parallel_loop3A_81, %while3A_286 : i32
            %parallel_loop3A_329 = arith.index_cast %parallel_loop3A_328 : i32 to index
            %parallel_loop3A_330 = tpu.vector_load %arg9[%parallel_loop3A_329] masked %parallel_loop3A_321 {strides = array<i32>} : memref<8320xi32, #tpu.memory_space<vmem>>, vector<16xi32>, vector<16xi1>
            tpu.vector_store %arg9[%parallel_loop3A_329], %parallel_loop3A_291 masked %parallel_loop3A_321 {strides = array<i32>} : memref<8320xi32, #tpu.memory_space<vmem>>, vector<16xi32>, vector<16xi1>
            %parallel_loop3A_331 = tpu.all_reduce %parallel_loop3A_321 {dim = 0 : i64, kind = #tpu.reduction_kind<sum>} : vector<16xi1> -> vector<16xi32>
            %parallel_loop3A_332 = vector.extract_strided_slice %parallel_loop3A_331 {offsets = [0], sizes = [1], strides = [1]} : vector<16xi32> to vector<1xi32>
            %parallel_loop3A_333 = vector.extract %parallel_loop3A_332[0] : i32 from vector<1xi32>
            %parallel_loop3A_334 = arith.addi %while3A_286, %parallel_loop3A_333 : i32
            scf.yield %parallel_loop3A_334 : i32
          }
          %parallel_loop3A_263 = arith.constant 1 : i32
          %parallel_loop3A_264 = scf.for %while3A_285 = %parallel_loop3A_260 to %parallel_loop3A_256 step %parallel_loop3A_263 iter_args(%while3A_286 = %parallel_loop3A_262) -> (i32)  : i32 {
            %parallel_loop3A_287 = arith.constant 16 : i32
            %parallel_loop3A_288 = arith.muli %while3A_285, %parallel_loop3A_287 : i32
            %parallel_loop3A_289 = arith.addi %parallel_loop3A_102, %parallel_loop3A_288 : i32
            %parallel_loop3A_290 = vector.broadcast %parallel_loop3A_289 : i32 to vector<16xi32>
            %parallel_loop3A_291 = arith.addi %parallel_loop3A_290, %iota3A : vector<16xi32>
            %parallel_loop3A_292 = arith.index_cast %parallel_loop3A_289 : i32 to index
            %parallel_loop3A_293 = tpu.vector_load %arg6[%parallel_loop3A_292] {strides = array<i32>} : memref<12336xf32, #tpu.memory_space<vmem>>, vector<16xf32>,
            %parallel_loop3A_294 = arith.constant 4096 : i32
            %parallel_loop3A_295 = arith.addi %parallel_loop3A_294, %parallel_loop3A_289 : i32
            %parallel_loop3A_296 = arith.index_cast %parallel_loop3A_295 : i32 to index
            %parallel_loop3A_297 = tpu.vector_load %arg6[%parallel_loop3A_296] {strides = array<i32>} : memref<12336xf32, #tpu.memory_space<vmem>>, vector<16xf32>,
            %parallel_loop3A_298 = arith.constant 8192 : i32
            %parallel_loop3A_299 = arith.addi %parallel_loop3A_298, %parallel_loop3A_289 : i32
            %parallel_loop3A_300 = arith.index_cast %parallel_loop3A_299 : i32 to index
            %parallel_loop3A_301 = tpu.vector_load %arg6[%parallel_loop3A_300] {strides = array<i32>} : memref<12336xf32, #tpu.memory_space<vmem>>, vector<16xf32>,
            %parallel_loop3A_302 = vector.broadcast %parallel_loop3A_86 : f32 to vector<16xf32>
            %parallel_loop3A_303 = arith.subf %parallel_loop3A_302, %parallel_loop3A_293 : vector<16xf32>
            %parallel_loop3A_304 = vector.broadcast %parallel_loop3A_92 : f32 to vector<16xf32>
            %parallel_loop3A_305 = arith.subf %parallel_loop3A_304, %parallel_loop3A_297 : vector<16xf32>
            %parallel_loop3A_306 = vector.broadcast %parallel_loop3A_98 : f32 to vector<16xf32>
            %parallel_loop3A_307 = arith.subf %parallel_loop3A_306, %parallel_loop3A_301 : vector<16xf32>
            %parallel_loop3A_308 = arith.mulf %parallel_loop3A_303, %parallel_loop3A_303 : vector<16xf32>
            %parallel_loop3A_309 = arith.mulf %parallel_loop3A_305, %parallel_loop3A_305 : vector<16xf32>
            %parallel_loop3A_310 = arith.addf %parallel_loop3A_308, %parallel_loop3A_309 : vector<16xf32>
            %parallel_loop3A_311 = arith.mulf %parallel_loop3A_307, %parallel_loop3A_307 : vector<16xf32>
            %parallel_loop3A_312 = arith.addf %parallel_loop3A_310, %parallel_loop3A_311 : vector<16xf32>
            %parallel_loop3A_313 = vector.broadcast %parallel_loop3A_106 : i32 to vector<16xi32>
            %parallel_loop3A_314 = arith.cmpi slt, %parallel_loop3A_291, %parallel_loop3A_313 : vector<16xi32>
            %parallel_loop3A_315 = vector.broadcast %parallel_loop3A_82 : i32 to vector<16xi32>
            %parallel_loop3A_316 = arith.cmpi ne, %parallel_loop3A_291, %parallel_loop3A_315 : vector<16xi32>
            %parallel_loop3A_317 = arith.andi %parallel_loop3A_314, %parallel_loop3A_316 : vector<16xi1>
            %parallel_loop3A_318 = arith.constant 1.000000e+02 : f32
            %parallel_loop3A_319 = vector.broadcast %parallel_loop3A_318 : f32 to vector<16xf32>
            %parallel_loop3A_320 = arith.cmpf ole, %parallel_loop3A_312, %parallel_loop3A_319 : vector<16xf32>
            %parallel_loop3A_321 = arith.andi %parallel_loop3A_317, %parallel_loop3A_320 : vector<16xi1>
            %parallel_loop3A_322 = arith.constant 1.000000e+10 : f32
            %parallel_loop3A_323 = vector.broadcast %parallel_loop3A_322 : f32 to vector<16xf32>
            %parallel_loop3A_324 = arith.select %parallel_loop3A_321, %parallel_loop3A_312, %parallel_loop3A_323 : vector<16xi1>, vector<16xf32>
            %parallel_loop3A_325 = arith.addi %parallel_loop3A_81, %while3A_286 : i32
            %parallel_loop3A_326 = arith.index_cast %parallel_loop3A_325 : i32 to index
            %parallel_loop3A_327 = tpu.vector_load %arg8[%parallel_loop3A_326] masked %parallel_loop3A_321 {strides = array<i32>} : memref<8320xf32, #tpu.memory_space<vmem>>, vector<16xf32>, vector<16xi1>
            tpu.vector_store %arg8[%parallel_loop3A_326], %parallel_loop3A_324 masked %parallel_loop3A_321 {strides = array<i32>} : memref<8320xf32, #tpu.memory_space<vmem>>, vector<16xf32>, vector<16xi1>
            %parallel_loop3A_328 = arith.addi %parallel_loop3A_81, %while3A_286 : i32
            %parallel_loop3A_329 = arith.index_cast %parallel_loop3A_328 : i32 to index
            %parallel_loop3A_330 = tpu.vector_load %arg9[%parallel_loop3A_329] masked %parallel_loop3A_321 {strides = array<i32>} : memref<8320xi32, #tpu.memory_space<vmem>>, vector<16xi32>, vector<16xi1>
            tpu.vector_store %arg9[%parallel_loop3A_329], %parallel_loop3A_291 masked %parallel_loop3A_321 {strides = array<i32>} : memref<8320xi32, #tpu.memory_space<vmem>>, vector<16xi32>, vector<16xi1>
            %parallel_loop3A_331 = tpu.all_reduce %parallel_loop3A_321 {dim = 0 : i64, kind = #tpu.reduction_kind<sum>} : vector<16xi1> -> vector<16xi32>
            %parallel_loop3A_332 = vector.extract_strided_slice %parallel_loop3A_331 {offsets = [0], sizes = [1], strides = [1]} : vector<16xi32> to vector<1xi32>
            %parallel_loop3A_333 = vector.extract %parallel_loop3A_332[0] : i32 from vector<1xi32>
            %parallel_loop3A_334 = arith.addi %while3A_286, %parallel_loop3A_333 : i32
            scf.yield %parallel_loop3A_334 : i32
          }
          %parallel_loop3A_265 = arith.addi %parallel_loop3A_81, %parallel_loop3A_264 : i32
          %parallel_loop3A_266 = arith.index_cast %parallel_loop3A_265 : i32 to index
          %parallel_loop3A_267 = tpu.vector_load %arg8[%parallel_loop3A_266] {strides = array<i32>} : memref<8320xf32, #tpu.memory_space<vmem>>, vector<16xf32>,
          tpu.vector_store %arg8[%parallel_loop3A_266], %broadcast_in_dim3A_13 {strides = array<i32>} : memref<8320xf32, #tpu.memory_space<vmem>>, vector<16xf32>,
          %parallel_loop3A_268 = arith.addi %parallel_loop3A_81, %parallel_loop3A_264 : i32
          %parallel_loop3A_269 = arith.constant 16 : i32
          %parallel_loop3A_270 = arith.addi %parallel_loop3A_268, %parallel_loop3A_269 : i32
          %parallel_loop3A_271 = arith.index_cast %parallel_loop3A_270 : i32 to index
          %parallel_loop3A_272 = tpu.vector_load %arg8[%parallel_loop3A_271] {strides = array<i32>} : memref<8320xf32, #tpu.memory_space<vmem>>, vector<16xf32>,
          tpu.vector_store %arg8[%parallel_loop3A_271], %broadcast_in_dim3A_13 {strides = array<i32>} : memref<8320xf32, #tpu.memory_space<vmem>>, vector<16xf32>,
          %parallel_loop3A_273 = arith.index_cast %parallel_loop3A_81 : i32 to index
          %parallel_loop3A_274 = tpu.vector_load %arg8[%parallel_loop3A_273] {strides = array<i32>} : memref<8320xf32, #tpu.memory_space<vmem>>, vector<16xf32>,
          %parallel_loop3A_275 = arith.index_cast %parallel_loop3A_81 : i32 to index
          %parallel_loop3A_276 = tpu.vector_load %arg9[%parallel_loop3A_275] {strides = array<i32>} : memref<8320xi32, #tpu.memory_space<vmem>>, vector<16xi32>,
          %parallel_loop3A_277 = arith.constant 16 : i32
          %parallel_loop3A_278 = arith.addi %parallel_loop3A_81, %parallel_loop3A_277 : i32
          %parallel_loop3A_279 = arith.index_cast %parallel_loop3A_278 : i32 to index
          %parallel_loop3A_280 = tpu.vector_load %arg8[%parallel_loop3A_279] {strides = array<i32>} : memref<8320xf32, #tpu.memory_space<vmem>>, vector<16xf32>,
          %parallel_loop3A_281 = arith.constant 16 : i32
          %parallel_loop3A_282 = arith.addi %parallel_loop3A_81, %parallel_loop3A_281 : i32
          %parallel_loop3A_283 = arith.index_cast %parallel_loop3A_282 : i32 to index
          %parallel_loop3A_284 = tpu.vector_load %arg9[%parallel_loop3A_283] {strides = array<i32>} : memref<8320xi32, #tpu.memory_space<vmem>>, vector<16xi32>,
          scf.yield %parallel_loop3A_274, %parallel_loop3A_276, %parallel_loop3A_280, %parallel_loop3A_284, %parallel_loop3A_264 : vector<16xf32>, vector<16xi32>, vector<16xf32>, vector<16xi32>, i32
        }
        scf.yield %parallel_loop3A_252#0, %parallel_loop3A_252#1, %parallel_loop3A_252#2, %parallel_loop3A_252#3, %parallel_loop3A_252#4 : vector<16xf32>, vector<16xi32>, vector<16xf32>, vector<16xi32>, i32
      }
      %parallel_loop3A_118 = arith.constant dense<true> : vector<16xi1>
      %parallel_loop3A_119, %parallel_loop3A_120, %parallel_loop3A_121 = tpu.sort %parallel_loop3A_117#0, %parallel_loop3A_117#1 masked %parallel_loop3A_118 : (vector<16xf32>, vector<16xi32>, vector<16xi1>) -> (vector<16xi1>, vector<16xf32>, vector<16xi32>)
      %parallel_loop3A_122 = arith.constant dense<true> : vector<16xi1>
      %parallel_loop3A_123, %parallel_loop3A_124, %parallel_loop3A_125 = tpu.sort %parallel_loop3A_117#2, %parallel_loop3A_117#3 masked %parallel_loop3A_122 : (vector<16xf32>, vector<16xi32>, vector<16xi1>) -> (vector<16xi1>, vector<16xf32>, vector<16xi32>)
      %parallel_loop3A_126 = arith.constant 15 : i32
      %parallel_loop3A_127 = vector.broadcast %parallel_loop3A_126 : i32 to vector<16xi32>
      %parallel_loop3A_128 = tpu.iota {dimensions = array<i32: 0>} : vector<16xi32>
      %parallel_loop3A_129 = arith.subi %parallel_loop3A_127, %parallel_loop3A_128 : vector<16xi32>
      %parallel_loop3A_130 = tpu.dynamic_gather %parallel_loop3A_124[%parallel_loop3A_129] in [0] : vector<16xf32>, vector<16xi32> -> vector<16xf32>
      %parallel_loop3A_131 = arith.constant 15 : i32
      %parallel_loop3A_132 = vector.broadcast %parallel_loop3A_131 : i32 to vector<16xi32>
      %parallel_loop3A_133 = tpu.iota {dimensions = array<i32: 0>} : vector<16xi32>
      %parallel_loop3A_134 = arith.subi %parallel_loop3A_132, %parallel_loop3A_133 : vector<16xi32>
      %parallel_loop3A_135 = tpu.dynamic_gather %parallel_loop3A_125[%parallel_loop3A_134] in [0] : vector<16xi32>, vector<16xi32> -> vector<16xi32>
      %parallel_loop3A_136 = arith.cmpf ole, %parallel_loop3A_120, %parallel_loop3A_130 : vector<16xf32>
      %parallel_loop3A_137 = arith.select %parallel_loop3A_136, %parallel_loop3A_120, %parallel_loop3A_130 : vector<16xi1>, vector<16xf32>
      %parallel_loop3A_138 = arith.select %parallel_loop3A_136, %parallel_loop3A_121, %parallel_loop3A_135 : vector<16xi1>, vector<16xi32>
      %parallel_loop3A_139 = arith.select %parallel_loop3A_136, %parallel_loop3A_130, %parallel_loop3A_120 : vector<16xi1>, vector<16xf32>
      %parallel_loop3A_140 = arith.select %parallel_loop3A_136, %parallel_loop3A_135, %parallel_loop3A_121 : vector<16xi1>, vector<16xi32>
      %parallel_loop3A_141 = arith.constant dense<true> : vector<16xi1>
      %parallel_loop3A_142, %parallel_loop3A_143, %parallel_loop3A_144 = tpu.sort %parallel_loop3A_137, %parallel_loop3A_138 masked %parallel_loop3A_141 : (vector<16xf32>, vector<16xi32>, vector<16xi1>) -> (vector<16xi1>, vector<16xf32>, vector<16xi32>)
      %parallel_loop3A_145 = arith.constant dense<true> : vector<16xi1>
      %parallel_loop3A_146, %parallel_loop3A_147, %parallel_loop3A_148 = tpu.sort %parallel_loop3A_139, %parallel_loop3A_140 masked %parallel_loop3A_145 : (vector<16xf32>, vector<16xi32>, vector<16xi1>) -> (vector<16xi1>, vector<16xf32>, vector<16xi32>)
      %parallel_loop3A_149 = arith.constant 15 : i32
      %parallel_loop3A_150 = arith.addi %parallel_loop3A_117#4, %parallel_loop3A_149 : i32
      %parallel_loop3A_151 = arith.constant 4 : i32
      %parallel_loop3A_152 = arith.shrsi %parallel_loop3A_150, %parallel_loop3A_151 : i32
      %parallel_loop3A_153 = arith.constant 2 : i32
      %parallel_loop3A_154 = arith.subi %parallel_loop3A_152, %parallel_loop3A_153 : i32
      %parallel_loop3A_155 = arith.addi %parallel_loop3A_153, %parallel_loop3A_154 : i32
      %parallel_loop3A_156 = arith.constant 1 : i32
      %parallel_loop3A_157 = arith.divsi %parallel_loop3A_154, %parallel_loop3A_156 : i32
      %parallel_loop3A_158 = arith.muli %parallel_loop3A_157, %parallel_loop3A_156 : i32
      %parallel_loop3A_159 = arith.addi %parallel_loop3A_153, %parallel_loop3A_158 : i32
      %parallel_loop3A_160 = arith.constant 1 : i32
      %parallel_loop3A_161:4 = scf.for %while3A_247 = %parallel_loop3A_153 to %parallel_loop3A_159 step %parallel_loop3A_160 iter_args(%while3A_248 = %parallel_loop3A_143, %while3A_249 = %parallel_loop3A_144, %while3A_250 = %parallel_loop3A_147, %while3A_251 = %parallel_loop3A_148) -> (vector<16xf32>, vector<16xi32>, vector<16xf32>, vector<16xi32>)  : i32 {
        %parallel_loop3A_252 = arith.constant 16 : i32
        %parallel_loop3A_253 = arith.muli %while3A_247, %parallel_loop3A_252 : i32
        %parallel_loop3A_254 = vector.broadcast %parallel_loop3A_253 : i32 to vector<16xi32>
        %parallel_loop3A_255 = arith.addi %parallel_loop3A_254, %iota3A : vector<16xi32>
        %parallel_loop3A_256 = arith.constant 16 : i32
        %parallel_loop3A_257 = arith.muli %while3A_247, %parallel_loop3A_256 : i32
        %parallel_loop3A_258 = arith.addi %parallel_loop3A_81, %parallel_loop3A_257 : i32
        %parallel_loop3A_259 = arith.index_cast %parallel_loop3A_258 : i32 to index
        %parallel_loop3A_260 = tpu.vector_load %arg8[%parallel_loop3A_259] {strides = array<i32>} : memref<8320xf32, #tpu.memory_space<vmem>>, vector<16xf32>,
        %parallel_loop3A_261 = arith.constant 16 : i32
        %parallel_loop3A_262 = arith.muli %while3A_247, %parallel_loop3A_261 : i32
        %parallel_loop3A_263 = arith.addi %parallel_loop3A_81, %parallel_loop3A_262 : i32
        %parallel_loop3A_264 = arith.index_cast %parallel_loop3A_263 : i32 to index
        %parallel_loop3A_265 = tpu.vector_load %arg9[%parallel_loop3A_264] {strides = array<i32>} : memref<8320xi32, #tpu.memory_space<vmem>>, vector<16xi32>,
        %parallel_loop3A_266 = vector.broadcast %parallel_loop3A_117#4 : i32 to vector<16xi32>
        %parallel_loop3A_267 = arith.cmpi slt, %parallel_loop3A_255, %parallel_loop3A_266 : vector<16xi32>
        %parallel_loop3A_268 = arith.constant 1.000000e+10 : f32
        %parallel_loop3A_269 = vector.broadcast %parallel_loop3A_268 : f32 to vector<16xf32>
        %parallel_loop3A_270 = arith.select %parallel_loop3A_267, %parallel_loop3A_260, %parallel_loop3A_269 : vector<16xi1>, vector<16xf32>
        %parallel_loop3A_271 = arith.constant dense<true> : vector<16xi1>
        %parallel_loop3A_272, %parallel_loop3A_273, %parallel_loop3A_274 = tpu.sort %parallel_loop3A_270, %parallel_loop3A_265 masked %parallel_loop3A_271 : (vector<16xf32>, vector<16xi32>, vector<16xi1>) -> (vector<16xi1>, vector<16xf32>, vector<16xi32>)
        %parallel_loop3A_275 = arith.constant 15 : i32
        %parallel_loop3A_276 = vector.broadcast %parallel_loop3A_275 : i32 to vector<16xi32>
        %parallel_loop3A_277 = tpu.iota {dimensions = array<i32: 0>} : vector<16xi32>
        %parallel_loop3A_278 = arith.subi %parallel_loop3A_276, %parallel_loop3A_277 : vector<16xi32>
        %parallel_loop3A_279 = tpu.dynamic_gather %parallel_loop3A_273[%parallel_loop3A_278] in [0] : vector<16xf32>, vector<16xi32> -> vector<16xf32>
        %parallel_loop3A_280 = arith.constant 15 : i32
        %parallel_loop3A_281 = vector.broadcast %parallel_loop3A_280 : i32 to vector<16xi32>
        %parallel_loop3A_282 = tpu.iota {dimensions = array<i32: 0>} : vector<16xi32>
        %parallel_loop3A_283 = arith.subi %parallel_loop3A_281, %parallel_loop3A_282 : vector<16xi32>
        %parallel_loop3A_284 = tpu.dynamic_gather %parallel_loop3A_274[%parallel_loop3A_283] in [0] : vector<16xi32>, vector<16xi32> -> vector<16xi32>
        %parallel_loop3A_285 = arith.cmpf ole, %while3A_248, %parallel_loop3A_279 : vector<16xf32>
        %parallel_loop3A_286 = arith.select %parallel_loop3A_285, %while3A_248, %parallel_loop3A_279 : vector<16xi1>, vector<16xf32>
        %parallel_loop3A_287 = arith.select %parallel_loop3A_285, %while3A_249, %parallel_loop3A_284 : vector<16xi1>, vector<16xi32>
        %parallel_loop3A_288 = arith.select %parallel_loop3A_285, %parallel_loop3A_279, %while3A_248 : vector<16xi1>, vector<16xf32>
        %parallel_loop3A_289 = arith.select %parallel_loop3A_285, %parallel_loop3A_284, %while3A_249 : vector<16xi1>, vector<16xi32>
        %parallel_loop3A_290 = arith.constant dense<true> : vector<16xi1>
        %parallel_loop3A_291, %parallel_loop3A_292, %parallel_loop3A_293 = tpu.sort %parallel_loop3A_286, %parallel_loop3A_287 masked %parallel_loop3A_290 : (vector<16xf32>, vector<16xi32>, vector<16xi1>) -> (vector<16xi1>, vector<16xf32>, vector<16xi32>)
        %parallel_loop3A_294 = arith.constant dense<true> : vector<16xi1>
        %parallel_loop3A_295, %parallel_loop3A_296, %parallel_loop3A_297 = tpu.sort %parallel_loop3A_288, %parallel_loop3A_289 masked %parallel_loop3A_294 : (vector<16xf32>, vector<16xi32>, vector<16xi1>) -> (vector<16xi1>, vector<16xf32>, vector<16xi32>)
        %parallel_loop3A_298 = arith.constant 15 : i32
        %parallel_loop3A_299 = vector.broadcast %parallel_loop3A_298 : i32 to vector<16xi32>
        %parallel_loop3A_300 = tpu.iota {dimensions = array<i32: 0>} : vector<16xi32>
        %parallel_loop3A_301 = arith.subi %parallel_loop3A_299, %parallel_loop3A_300 : vector<16xi32>
        %parallel_loop3A_302 = tpu.dynamic_gather %parallel_loop3A_296[%parallel_loop3A_301] in [0] : vector<16xf32>, vector<16xi32> -> vector<16xf32>
        %parallel_loop3A_303 = arith.constant 15 : i32
        %parallel_loop3A_304 = vector.broadcast %parallel_loop3A_303 : i32 to vector<16xi32>
        %parallel_loop3A_305 = tpu.iota {dimensions = array<i32: 0>} : vector<16xi32>
        %parallel_loop3A_306 = arith.subi %parallel_loop3A_304, %parallel_loop3A_305 : vector<16xi32>
        %parallel_loop3A_307 = tpu.dynamic_gather %parallel_loop3A_297[%parallel_loop3A_306] in [0] : vector<16xi32>, vector<16xi32> -> vector<16xi32>
        %parallel_loop3A_308 = arith.cmpf ole, %while3A_250, %parallel_loop3A_302 : vector<16xf32>
        %parallel_loop3A_309 = arith.select %parallel_loop3A_308, %while3A_250, %parallel_loop3A_302 : vector<16xi1>, vector<16xf32>
        %parallel_loop3A_310 = arith.select %parallel_loop3A_308, %while3A_251, %parallel_loop3A_307 : vector<16xi1>, vector<16xi32>
        %parallel_loop3A_311 = arith.constant dense<true> : vector<16xi1>
        %parallel_loop3A_312, %parallel_loop3A_313, %parallel_loop3A_314 = tpu.sort %parallel_loop3A_309, %parallel_loop3A_310 masked %parallel_loop3A_311 : (vector<16xf32>, vector<16xi32>, vector<16xi1>) -> (vector<16xi1>, vector<16xf32>, vector<16xi32>)
        scf.yield %parallel_loop3A_292, %parallel_loop3A_293, %parallel_loop3A_313, %parallel_loop3A_314 : vector<16xf32>, vector<16xi32>, vector<16xf32>, vector<16xi32>
      }
      %parallel_loop3A_162 = arith.constant 1 : i32
      %parallel_loop3A_163:4 = scf.for %while3A_247 = %parallel_loop3A_159 to %parallel_loop3A_155 step %parallel_loop3A_162 iter_args(%while3A_248 = %parallel_loop3A_161#0, %while3A_249 = %parallel_loop3A_161#1, %while3A_250 = %parallel_loop3A_161#2, %while3A_251 = %parallel_loop3A_161#3) -> (vector<16xf32>, vector<16xi32>, vector<16xf32>, vector<16xi32>)  : i32 {
        %parallel_loop3A_252 = arith.constant 16 : i32
        %parallel_loop3A_253 = arith.muli %while3A_247, %parallel_loop3A_252 : i32
        %parallel_loop3A_254 = vector.broadcast %parallel_loop3A_253 : i32 to vector<16xi32>
        %parallel_loop3A_255 = arith.addi %parallel_loop3A_254, %iota3A : vector<16xi32>
        %parallel_loop3A_256 = arith.constant 16 : i32
        %parallel_loop3A_257 = arith.muli %while3A_247, %parallel_loop3A_256 : i32
        %parallel_loop3A_258 = arith.addi %parallel_loop3A_81, %parallel_loop3A_257 : i32
        %parallel_loop3A_259 = arith.index_cast %parallel_loop3A_258 : i32 to index
        %parallel_loop3A_260 = tpu.vector_load %arg8[%parallel_loop3A_259] {strides = array<i32>} : memref<8320xf32, #tpu.memory_space<vmem>>, vector<16xf32>,
        %parallel_loop3A_261 = arith.constant 16 : i32
        %parallel_loop3A_262 = arith.muli %while3A_247, %parallel_loop3A_261 : i32
        %parallel_loop3A_263 = arith.addi %parallel_loop3A_81, %parallel_loop3A_262 : i32
        %parallel_loop3A_264 = arith.index_cast %parallel_loop3A_263 : i32 to index
        %parallel_loop3A_265 = tpu.vector_load %arg9[%parallel_loop3A_264] {strides = array<i32>} : memref<8320xi32, #tpu.memory_space<vmem>>, vector<16xi32>,
        %parallel_loop3A_266 = vector.broadcast %parallel_loop3A_117#4 : i32 to vector<16xi32>
        %parallel_loop3A_267 = arith.cmpi slt, %parallel_loop3A_255, %parallel_loop3A_266 : vector<16xi32>
        %parallel_loop3A_268 = arith.constant 1.000000e+10 : f32
        %parallel_loop3A_269 = vector.broadcast %parallel_loop3A_268 : f32 to vector<16xf32>
        %parallel_loop3A_270 = arith.select %parallel_loop3A_267, %parallel_loop3A_260, %parallel_loop3A_269 : vector<16xi1>, vector<16xf32>
        %parallel_loop3A_271 = arith.constant dense<true> : vector<16xi1>
        %parallel_loop3A_272, %parallel_loop3A_273, %parallel_loop3A_274 = tpu.sort %parallel_loop3A_270, %parallel_loop3A_265 masked %parallel_loop3A_271 : (vector<16xf32>, vector<16xi32>, vector<16xi1>) -> (vector<16xi1>, vector<16xf32>, vector<16xi32>)
        %parallel_loop3A_275 = arith.constant 15 : i32
        %parallel_loop3A_276 = vector.broadcast %parallel_loop3A_275 : i32 to vector<16xi32>
        %parallel_loop3A_277 = tpu.iota {dimensions = array<i32: 0>} : vector<16xi32>
        %parallel_loop3A_278 = arith.subi %parallel_loop3A_276, %parallel_loop3A_277 : vector<16xi32>
        %parallel_loop3A_279 = tpu.dynamic_gather %parallel_loop3A_273[%parallel_loop3A_278] in [0] : vector<16xf32>, vector<16xi32> -> vector<16xf32>
        %parallel_loop3A_280 = arith.constant 15 : i32
        %parallel_loop3A_281 = vector.broadcast %parallel_loop3A_280 : i32 to vector<16xi32>
        %parallel_loop3A_282 = tpu.iota {dimensions = array<i32: 0>} : vector<16xi32>
        %parallel_loop3A_283 = arith.subi %parallel_loop3A_281, %parallel_loop3A_282 : vector<16xi32>
        %parallel_loop3A_284 = tpu.dynamic_gather %parallel_loop3A_274[%parallel_loop3A_283] in [0] : vector<16xi32>, vector<16xi32> -> vector<16xi32>
        %parallel_loop3A_285 = arith.cmpf ole, %while3A_248, %parallel_loop3A_279 : vector<16xf32>
        %parallel_loop3A_286 = arith.select %parallel_loop3A_285, %while3A_248, %parallel_loop3A_279 : vector<16xi1>, vector<16xf32>
        %parallel_loop3A_287 = arith.select %parallel_loop3A_285, %while3A_249, %parallel_loop3A_284 : vector<16xi1>, vector<16xi32>
        %parallel_loop3A_288 = arith.select %parallel_loop3A_285, %parallel_loop3A_279, %while3A_248 : vector<16xi1>, vector<16xf32>
        %parallel_loop3A_289 = arith.select %parallel_loop3A_285, %parallel_loop3A_284, %while3A_249 : vector<16xi1>, vector<16xi32>
        %parallel_loop3A_290 = arith.constant dense<true> : vector<16xi1>
        %parallel_loop3A_291, %parallel_loop3A_292, %parallel_loop3A_293 = tpu.sort %parallel_loop3A_286, %parallel_loop3A_287 masked %parallel_loop3A_290 : (vector<16xf32>, vector<16xi32>, vector<16xi1>) -> (vector<16xi1>, vector<16xf32>, vector<16xi32>)
        %parallel_loop3A_294 = arith.constant dense<true> : vector<16xi1>
        %parallel_loop3A_295, %parallel_loop3A_296, %parallel_loop3A_297 = tpu.sort %parallel_loop3A_288, %parallel_loop3A_289 masked %parallel_loop3A_294 : (vector<16xf32>, vector<16xi32>, vector<16xi1>) -> (vector<16xi1>, vector<16xf32>, vector<16xi32>)
        %parallel_loop3A_298 = arith.constant 15 : i32
        %parallel_loop3A_299 = vector.broadcast %parallel_loop3A_298 : i32 to vector<16xi32>
        %parallel_loop3A_300 = tpu.iota {dimensions = array<i32: 0>} : vector<16xi32>
        %parallel_loop3A_301 = arith.subi %parallel_loop3A_299, %parallel_loop3A_300 : vector<16xi32>
        %parallel_loop3A_302 = tpu.dynamic_gather %parallel_loop3A_296[%parallel_loop3A_301] in [0] : vector<16xf32>, vector<16xi32> -> vector<16xf32>
        %parallel_loop3A_303 = arith.constant 15 : i32
        %parallel_loop3A_304 = vector.broadcast %parallel_loop3A_303 : i32 to vector<16xi32>
        %parallel_loop3A_305 = tpu.iota {dimensions = array<i32: 0>} : vector<16xi32>
        %parallel_loop3A_306 = arith.subi %parallel_loop3A_304, %parallel_loop3A_305 : vector<16xi32>
        %parallel_loop3A_307 = tpu.dynamic_gather %parallel_loop3A_297[%parallel_loop3A_306] in [0] : vector<16xi32>, vector<16xi32> -> vector<16xi32>
        %parallel_loop3A_308 = arith.cmpf ole, %while3A_250, %parallel_loop3A_302 : vector<16xf32>
        %parallel_loop3A_309 = arith.select %parallel_loop3A_308, %while3A_250, %parallel_loop3A_302 : vector<16xi1>, vector<16xf32>
        %parallel_loop3A_310 = arith.select %parallel_loop3A_308, %while3A_251, %parallel_loop3A_307 : vector<16xi1>, vector<16xi32>
        %parallel_loop3A_311 = arith.constant dense<true> : vector<16xi1>
        %parallel_loop3A_312, %parallel_loop3A_313, %parallel_loop3A_314 = tpu.sort %parallel_loop3A_309, %parallel_loop3A_310 masked %parallel_loop3A_311 : (vector<16xf32>, vector<16xi32>, vector<16xi1>) -> (vector<16xi1>, vector<16xf32>, vector<16xi32>)
        scf.yield %parallel_loop3A_292, %parallel_loop3A_293, %parallel_loop3A_313, %parallel_loop3A_314 : vector<16xf32>, vector<16xi32>, vector<16xf32>, vector<16xi32>
      }
      %parallel_loop3A_164 = arith.constant 5.000000e+09 : f32
      %parallel_loop3A_165 = vector.broadcast %parallel_loop3A_164 : f32 to vector<16xf32>
      %parallel_loop3A_166 = arith.cmpf olt, %parallel_loop3A_163#0, %parallel_loop3A_165 : vector<16xf32>
      %parallel_loop3A_167 = arith.constant 5.000000e+09 : f32
      %parallel_loop3A_168 = vector.broadcast %parallel_loop3A_167 : f32 to vector<16xf32>
      %parallel_loop3A_169 = arith.cmpf olt, %parallel_loop3A_163#2, %parallel_loop3A_168 : vector<16xf32>
      %parallel_loop3A_170 = vector.broadcast %parallel_loop3A_82 : i32 to vector<16xi32>
      %parallel_loop3A_171 = arith.select %parallel_loop3A_166, %parallel_loop3A_163#1, %parallel_loop3A_170 : vector<16xi1>, vector<16xi32>
      %parallel_loop3A_172 = vector.broadcast %parallel_loop3A_82 : i32 to vector<16xi32>
      %parallel_loop3A_173 = arith.select %parallel_loop3A_169, %parallel_loop3A_163#3, %parallel_loop3A_172 : vector<16xi1>, vector<16xi32>
      %parallel_loop3A_174 = vector.broadcast %parallel_loop3A_82 : i32 to vector<16xi32>
      %parallel_loop3A_175 = arith.constant 32 : i32
      %parallel_loop3A_176 = arith.muli %parallel_loop3A_77, %parallel_loop3A_175 : i32
      %parallel_loop3A_177 = arith.index_cast %parallel_loop3A_176 : i32 to index
      %parallel_loop3A_178 = tpu.vector_load %arg10[%parallel_loop3A_177] {strides = array<i32>} : memref<4096xi32, #tpu.memory_space<vmem>>, vector<16xi32>,
      tpu.vector_store %arg10[%parallel_loop3A_177], %parallel_loop3A_171 {strides = array<i32>} : memref<4096xi32, #tpu.memory_space<vmem>>, vector<16xi32>,
      %parallel_loop3A_179 = arith.constant 32 : i32
      %parallel_loop3A_180 = arith.muli %parallel_loop3A_77, %parallel_loop3A_179 : i32
      %parallel_loop3A_181 = arith.constant 16 : i32
      %parallel_loop3A_182 = arith.addi %parallel_loop3A_180, %parallel_loop3A_181 : i32
      %parallel_loop3A_183 = arith.index_cast %parallel_loop3A_182 : i32 to index
      %parallel_loop3A_184 = tpu.vector_load %arg10[%parallel_loop3A_183] {strides = array<i32>} : memref<4096xi32, #tpu.memory_space<vmem>>, vector<16xi32>,
      tpu.vector_store %arg10[%parallel_loop3A_183], %parallel_loop3A_173 {strides = array<i32>} : memref<4096xi32, #tpu.memory_space<vmem>>, vector<16xi32>,
      %parallel_loop3A_185 = arith.constant 32 : i32
      %parallel_loop3A_186 = arith.muli %parallel_loop3A_77, %parallel_loop3A_185 : i32
      %parallel_loop3A_187 = arith.index_cast %parallel_loop3A_186 : i32 to index
      %parallel_loop3A_188 = tpu.vector_load %arg11[%parallel_loop3A_187] {strides = array<i32>} : memref<4096xi32, #tpu.memory_space<vmem>>, vector<16xi32>,
      tpu.vector_store %arg11[%parallel_loop3A_187], %parallel_loop3A_174 {strides = array<i32>} : memref<4096xi32, #tpu.memory_space<vmem>>, vector<16xi32>,
      %parallel_loop3A_189 = arith.constant 32 : i32
      %parallel_loop3A_190 = arith.muli %parallel_loop3A_77, %parallel_loop3A_189 : i32
      %parallel_loop3A_191 = arith.constant 16 : i32
      %parallel_loop3A_192 = arith.addi %parallel_loop3A_190, %parallel_loop3A_191 : i32
      %parallel_loop3A_193 = arith.index_cast %parallel_loop3A_192 : i32 to index
      %parallel_loop3A_194 = tpu.vector_load %arg11[%parallel_loop3A_193] {strides = array<i32>} : memref<4096xi32, #tpu.memory_space<vmem>>, vector<16xi32>,
      tpu.vector_store %arg11[%parallel_loop3A_193], %parallel_loop3A_174 {strides = array<i32>} : memref<4096xi32, #tpu.memory_space<vmem>>, vector<16xi32>,
      %parallel_loop3A_195 = vector.bitcast %parallel_loop3A_163#0 : vector<16xf32> to vector<16xi32>
      %parallel_loop3A_196 = arith.constant 1 : i32
      %parallel_loop3A_197 = vector.broadcast %parallel_loop3A_196 : i32 to vector<16xi32>
      %parallel_loop3A_198 = arith.shrui %parallel_loop3A_195, %parallel_loop3A_197 : vector<16xi32>
      %parallel_loop3A_199 = arith.constant 1597463007 : i32
      %parallel_loop3A_200 = vector.broadcast %parallel_loop3A_199 : i32 to vector<16xi32>
      %parallel_loop3A_201 = arith.subi %parallel_loop3A_200, %parallel_loop3A_198 : vector<16xi32>
      %parallel_loop3A_202 = vector.bitcast %parallel_loop3A_201 : vector<16xi32> to vector<16xf32>
      %parallel_loop3A_203 = arith.constant 5.000000e-01 : f32
      %parallel_loop3A_204 = vector.broadcast %parallel_loop3A_203 : f32 to vector<16xf32>
      %parallel_loop3A_205 = arith.mulf %parallel_loop3A_204, %parallel_loop3A_163#0 : vector<16xf32>
      %parallel_loop3A_206 = arith.mulf %parallel_loop3A_205, %parallel_loop3A_202 : vector<16xf32>
      %parallel_loop3A_207 = arith.mulf %parallel_loop3A_206, %parallel_loop3A_202 : vector<16xf32>
      %parallel_loop3A_208 = arith.constant 1.500000e+00 : f32
      %parallel_loop3A_209 = vector.broadcast %parallel_loop3A_208 : f32 to vector<16xf32>
      %parallel_loop3A_210 = arith.subf %parallel_loop3A_209, %parallel_loop3A_207 : vector<16xf32>
      %parallel_loop3A_211 = arith.mulf %parallel_loop3A_202, %parallel_loop3A_210 : vector<16xf32>
      %parallel_loop3A_212 = arith.mulf %parallel_loop3A_163#0, %parallel_loop3A_211 : vector<16xf32>
      %parallel_loop3A_213 = arith.constant 0.000000e+00 : f32
      %parallel_loop3A_214 = vector.broadcast %parallel_loop3A_213 : f32 to vector<16xf32>
      %parallel_loop3A_215 = arith.select %parallel_loop3A_166, %parallel_loop3A_212, %parallel_loop3A_214 : vector<16xi1>, vector<16xf32>
      %parallel_loop3A_216 = arith.constant 32 : i32
      %parallel_loop3A_217 = arith.muli %parallel_loop3A_77, %parallel_loop3A_216 : i32
      %parallel_loop3A_218 = arith.index_cast %parallel_loop3A_217 : i32 to index
      %parallel_loop3A_219 = tpu.vector_load %arg12[%parallel_loop3A_218] {strides = array<i32>} : memref<4096xf32, #tpu.memory_space<vmem>>, vector<16xf32>,
      tpu.vector_store %arg12[%parallel_loop3A_218], %parallel_loop3A_215 {strides = array<i32>} : memref<4096xf32, #tpu.memory_space<vmem>>, vector<16xf32>,
      %parallel_loop3A_220 = vector.bitcast %parallel_loop3A_163#2 : vector<16xf32> to vector<16xi32>
      %parallel_loop3A_221 = arith.constant 1 : i32
      %parallel_loop3A_222 = vector.broadcast %parallel_loop3A_221 : i32 to vector<16xi32>
      %parallel_loop3A_223 = arith.shrui %parallel_loop3A_220, %parallel_loop3A_222 : vector<16xi32>
      %parallel_loop3A_224 = arith.constant 1597463007 : i32
      %parallel_loop3A_225 = vector.broadcast %parallel_loop3A_224 : i32 to vector<16xi32>
      %parallel_loop3A_226 = arith.subi %parallel_loop3A_225, %parallel_loop3A_223 : vector<16xi32>
      %parallel_loop3A_227 = vector.bitcast %parallel_loop3A_226 : vector<16xi32> to vector<16xf32>
      %parallel_loop3A_228 = arith.constant 5.000000e-01 : f32
      %parallel_loop3A_229 = vector.broadcast %parallel_loop3A_228 : f32 to vector<16xf32>
      %parallel_loop3A_230 = arith.mulf %parallel_loop3A_229, %parallel_loop3A_163#2 : vector<16xf32>
      %parallel_loop3A_231 = arith.mulf %parallel_loop3A_230, %parallel_loop3A_227 : vector<16xf32>
      %parallel_loop3A_232 = arith.mulf %parallel_loop3A_231, %parallel_loop3A_227 : vector<16xf32>
      %parallel_loop3A_233 = arith.constant 1.500000e+00 : f32
      %parallel_loop3A_234 = vector.broadcast %parallel_loop3A_233 : f32 to vector<16xf32>
      %parallel_loop3A_235 = arith.subf %parallel_loop3A_234, %parallel_loop3A_232 : vector<16xf32>
      %parallel_loop3A_236 = arith.mulf %parallel_loop3A_227, %parallel_loop3A_235 : vector<16xf32>
      %parallel_loop3A_237 = arith.mulf %parallel_loop3A_163#2, %parallel_loop3A_236 : vector<16xf32>
      %parallel_loop3A_238 = arith.constant 0.000000e+00 : f32
      %parallel_loop3A_239 = vector.broadcast %parallel_loop3A_238 : f32 to vector<16xf32>
      %parallel_loop3A_240 = arith.select %parallel_loop3A_169, %parallel_loop3A_237, %parallel_loop3A_239 : vector<16xi1>, vector<16xf32>
      %parallel_loop3A_241 = arith.constant 32 : i32
      %parallel_loop3A_242 = arith.muli %parallel_loop3A_77, %parallel_loop3A_241 : i32
      %parallel_loop3A_243 = arith.constant 16 : i32
      %parallel_loop3A_244 = arith.addi %parallel_loop3A_242, %parallel_loop3A_243 : i32
      %parallel_loop3A_245 = arith.index_cast %parallel_loop3A_244 : i32 to index
      %parallel_loop3A_246 = tpu.vector_load %arg12[%parallel_loop3A_245] {strides = array<i32>} : memref<4096xf32, #tpu.memory_space<vmem>>, vector<16xf32>,
      tpu.vector_store %arg12[%parallel_loop3A_245], %parallel_loop3A_240 {strides = array<i32>} : memref<4096xf32, #tpu.memory_space<vmem>>, vector<16xf32>,
    } {sc.loop_unroll_factor = 2 : i64, sc.parallel_access}
    %mul3A_47 = arith.constant 32 : i32
    %mul3A_48 = arith.muli %mul3A_2, %mul3A_47 : i32
    %dma_start3A_49 = arith.constant 0 : i32
    %dma_start3A_50 = tpu.memref_slice %arg4[%dma_start3A_49, %mul3A_48] : memref<2x131072xi32, #tpu.memory_space<hbm>> -> memref<1x4096xi32, #tpu.memory_space<hbm>>
    %dma_start3A_51 = tpu.memref_squeeze %dma_start3A_50 : memref<1x4096xi32, #tpu.memory_space<hbm>> -> memref<4096xi32, #tpu.memory_space<hbm>>
    %dma_start3A_52 = tpu.memref_slice %arg4[%dma_start3A_49, %mul3A_48] : memref<2x131072xi32, #tpu.memory_space<hbm>> -> memref<1x4096xi32, #tpu.memory_space<hbm>>
    %dma_start3A_53 = tpu.memref_squeeze %dma_start3A_52 : memref<1x4096xi32, #tpu.memory_space<hbm>> -> memref<4096xi32, #tpu.memory_space<hbm>>
    tpu.enqueue_dma source(%arg10 : memref<4096xi32, #tpu.memory_space<vmem>>) target(%dma_start3A_53 : memref<4096xi32, #tpu.memory_space<hbm>>) target_semaphore(%arg20 : memref<!tpu.dma_semaphore, #tpu.memory_space<semaphore_mem>>)
    %mul3A_54 = arith.constant 32 : i32
    %mul3A_55 = arith.muli %mul3A_2, %mul3A_54 : i32
    %dma_start3A_56 = arith.constant 1 : i32
    %dma_start3A_57 = tpu.memref_slice %arg4[%dma_start3A_56, %mul3A_55] : memref<2x131072xi32, #tpu.memory_space<hbm>> -> memref<1x4096xi32, #tpu.memory_space<hbm>>
    %dma_start3A_58 = tpu.memref_squeeze %dma_start3A_57 : memref<1x4096xi32, #tpu.memory_space<hbm>> -> memref<4096xi32, #tpu.memory_space<hbm>>
    %dma_start3A_59 = tpu.memref_slice %arg4[%dma_start3A_56, %mul3A_55] : memref<2x131072xi32, #tpu.memory_space<hbm>> -> memref<1x4096xi32, #tpu.memory_space<hbm>>
    %dma_start3A_60 = tpu.memref_squeeze %dma_start3A_59 : memref<1x4096xi32, #tpu.memory_space<hbm>> -> memref<4096xi32, #tpu.memory_space<hbm>>
    tpu.enqueue_dma source(%arg11 : memref<4096xi32, #tpu.memory_space<vmem>>) target(%dma_start3A_60 : memref<4096xi32, #tpu.memory_space<hbm>>) target_semaphore(%arg20 : memref<!tpu.dma_semaphore, #tpu.memory_space<semaphore_mem>>)
    %mul3A_61 = arith.constant 32 : i32
    %mul3A_62 = arith.muli %mul3A_2, %mul3A_61 : i32
    %dma_start3A_63 = tpu.memref_slice %arg5[%mul3A_62] : memref<131072xf32, #tpu.memory_space<hbm>> -> memref<4096xf32, #tpu.memory_space<hbm>>
    %dma_start3A_64 = tpu.memref_slice %arg5[%mul3A_62] : memref<131072xf32, #tpu.memory_space<hbm>> -> memref<4096xf32, #tpu.memory_space<hbm>>
    tpu.enqueue_dma source(%arg12 : memref<4096xf32, #tpu.memory_space<vmem>>) target(%dma_start3A_64 : memref<4096xf32, #tpu.memory_space<hbm>>) target_semaphore(%arg20 : memref<!tpu.dma_semaphore, #tpu.memory_space<semaphore_mem>>)
    %dma_wait3A_65 = arith.constant 0 : i32
    %dma_wait3A_66 = tpu.memref_slice %arg4[%dma_wait3A_65, %mul3A_48] : memref<2x131072xi32, #tpu.memory_space<hbm>> -> memref<1x4096xi32, #tpu.memory_space<hbm>>
    %dma_wait3A_67 = tpu.memref_squeeze %dma_wait3A_66 : memref<1x4096xi32, #tpu.memory_space<hbm>> -> memref<4096xi32, #tpu.memory_space<hbm>>
    %dma_wait3A_68 = tpu.memref_slice %arg4[%dma_wait3A_65, %mul3A_48] : memref<2x131072xi32, #tpu.memory_space<hbm>> -> memref<1x4096xi32, #tpu.memory_space<hbm>>
    %dma_wait3A_69 = tpu.memref_squeeze %dma_wait3A_68 : memref<1x4096xi32, #tpu.memory_space<hbm>> -> memref<4096xi32, #tpu.memory_space<hbm>>
    tpu.wait_dma2 semaphore(%arg20 : memref<!tpu.dma_semaphore, #tpu.memory_space<semaphore_mem>>) src(%arg10 : memref<4096xi32, #tpu.memory_space<vmem>>) dst(%dma_wait3A_69 : memref<4096xi32, #tpu.memory_space<hbm>>)
    %dma_wait3A_70 = arith.constant 1 : i32
    %dma_wait3A_71 = tpu.memref_slice %arg4[%dma_wait3A_70, %mul3A_55] : memref<2x131072xi32, #tpu.memory_space<hbm>> -> memref<1x4096xi32, #tpu.memory_space<hbm>>
    %dma_wait3A_72 = tpu.memref_squeeze %dma_wait3A_71 : memref<1x4096xi32, #tpu.memory_space<hbm>> -> memref<4096xi32, #tpu.memory_space<hbm>>
    %dma_wait3A_73 = tpu.memref_slice %arg4[%dma_wait3A_70, %mul3A_55] : memref<2x131072xi32, #tpu.memory_space<hbm>> -> memref<1x4096xi32, #tpu.memory_space<hbm>>
    %dma_wait3A_74 = tpu.memref_squeeze %dma_wait3A_73 : memref<1x4096xi32, #tpu.memory_space<hbm>> -> memref<4096xi32, #tpu.memory_space<hbm>>
    tpu.wait_dma2 semaphore(%arg20 : memref<!tpu.dma_semaphore, #tpu.memory_space<semaphore_mem>>) src(%arg11 : memref<4096xi32, #tpu.memory_space<vmem>>) dst(%dma_wait3A_74 : memref<4096xi32, #tpu.memory_space<hbm>>)
    %dma_wait3A_75 = tpu.memref_slice %arg5[%mul3A_62] : memref<131072xf32, #tpu.memory_space<hbm>> -> memref<4096xf32, #tpu.memory_space<hbm>>
    %dma_wait3A_76 = tpu.memref_slice %arg5[%mul3A_62] : memref<131072xf32, #tpu.memory_space<hbm>> -> memref<4096xf32, #tpu.memory_space<hbm>>
    tpu.wait_dma2 semaphore(%arg20 : memref<!tpu.dma_semaphore, #tpu.memory_space<semaphore_mem>>) src(%arg12 : memref<4096xf32, #tpu.memory_space<vmem>>) dst(%dma_wait3A_76 : memref<4096xf32, #tpu.memory_space<hbm>>)
    return
  }
}

</mosaic_0001>

<sc_bundles>
// kernel: kernel.3.cloned.1.call-start
scs
__scs_entry_jumppad:
0x0: {  	(pc) =	sbr.rel $0x88, $3  }
0x1: {  	(tag) =	ssettag $0x0;
	lr =	simm.s32 $0x1  }
0x2: {  	[smem:$0x3F9F] =	sst lr;
	_ =	strace $0xD0000000  }
0x3: {  	_ = 	snop  }
0x4: {  	_ = 	snop  }
0x5: {  	_ = 	snop  }
0x6: {  	_ = 	snop  }
0x7: {  	_ = 	snop  }
__scs_overlays_trampoline_lowered:
0x8: {  	[smem:$0x3FAE] =	sst s0  }
0x9: {  	[smem:$0x3FAF] =	sst s1  }
0xa: {  	[smem:$0x3FB0] =	sst s2  }
0xb: {  	[smem:$0x3FB1] =	sst s3  }
0xc: {  	[smem:$0x3FB2] =	sst s4  }
0xd: {  	[smem:$0x3FB3] =	sst s5  }
0xe: {  	[smem:$0x3FB4] =	sst s6  }
0xf: {  	[smem:$0x3FB5] =	sst s7  }
0x10: {  	[smem:$0x3FB6] =	sst s8  }
0x11: {  	[smem:$0x3FB7] =	sst s9;
	s0 =	simm.s32 @!p0 $0x0  }
0x12: {  	s1 =	sld [smem:$0x3F9D];
	s0 =	simm.s32 @p0 $0x1  }
0x13: {  	[smem:$0x3FB8] =	sst s0;
	s0 =	simm.s32 @!p1 $0x0  }
0x14: {  	s2 =	sld [smem:$0x3F9C];
	s0 =	simm.s32 @p1 $0x1  }
0x15: {  	[smem:$0x3FB9] =	sst s0;
	s0 =	simm.s32 @!p2 $0x0  }
0x16: {  	s3 =	sld [smem:$0x3FDB];
	s0 =	simm.s32 @p2 $0x1  }
0x17: {  	s4 =	simm.s32 $0x1BF5;
	[smem:$0x3FBB] =	sst s0  }
0x18: {  	s0 =	sld [smem:$0x3F9E];
	_ =	swait.ge [sflag:s4], $0x0  }
0x19: {  	s7 =	sld [smem:$0x3F9F]  }
0x1a: {  	s8 =	sadd.s32 $0xFFFFE003, lr  }
0x1b: {  	s9 =	sadd.s32 $0xFFFFFEF7, lr;
	s5 =	simm.s32 $0xFFFFFFFF;
	p2 =	slt.u32 s8, $0xFFFFF086  }
0x1c: {  	p1 =	slt.u32 s9, $0xF7A;
	s5 =	simm.s32 @!p2 $0x0  }
0x1d: {  	s5 =	simm.s32 @p1 $0x1;
	p0 =	seq.s32 s7, s2  }
0x1e: {  	s7 =	smul.u32 @!p0 $0xF7A, s2;
	p2 =	seq.s32 @!p0 s5, $0x0  }
0x1f: {  	s9 =	smul.u32 $0xF7A, s1;
	s8 =	simm.s32 @!p0 $0x1BF5;
	p2 =	por !p2, p0  }
0x20: {  	[sflag:s8] =	ssyncset.s32 @!p0 $0xFFFFF086;
	s6 =	sadd.s32 @!p0 s3, s7;
	s7 =	simm.s32 @!p0 $0x108  }
0x21: {  	s3 =	sadd.s32 s3, s9;
	s6 =	sadd.s32 @!p0 $0x88, s6;
	s7 =	simm.s32 @p2 $0x1082  }
0x22: {  	[simem:s7], [sflag:s8] =	dma.local @!p0 [hbm:s6], $0xF7A  }
0x23: {  	s9 =	sor.u32 $0xD0000000, s2;
	s6 =	simm.s32 $0x108;
	_ =	swait.ge @!p0 [sflag:s8], $0x0  }
0x24: {  	s3 =	sadd.s32 $0x88, s3;
	s6 =	simm.s32 @!p1 $0x1082;
	[sflag:s4] =	ssyncset.s32 $0xFFFFF086  }
0x25: {  	[simem:s6], [sflag:s4] =	dma.local [hbm:s3], $0xF7A  }
0x26: {  	[smem:$0x3F9F] =	sst s1;
	(tag) =	ssettag s2;
	_ =	strace s9  }
0x27: {  	s1 =	sld [smem:$0x3FAF]  }
0x28: {  	s2 =	sld [smem:$0x3FB0]  }
0x29: {  	s4 =	sld [smem:$0x3FB2]  }
0x2a: {  	p0 =	seq.s32 s5, $0x0;
	s5 =	sld [smem:$0x3FB3]  }
0x2b: {  	s6 =	sld [smem:$0x3FB4]  }
0x2c: {  	s7 =	sld [smem:$0x3FB5]  }
0x2d: {  	s3 =	simm.s32 $0x108;
	s8 =	sld [smem:$0x3FB6]  }
0x2e: {  	s3 =	simm.s32 @!p0 $0x1082;
	s9 =	sld [smem:$0x3FB7]  }
0x2f: {  	lr =	sadd.s32 s0, s3;
	s0 =	sld [smem:$0x3FAE]  }
0x30: {  	s3 =	sld [smem:$0x3FB1]  }
0x31: {  	[smem:$0x3FBA] =	sst s10  }
0x32: {  	s10 =	sld [smem:$0x3FB8];
	_ =	sdelay $0x3  }
0x33: {  	p0 =	seq.s32 s10, $0x1;
	s10 =	sld [smem:$0x3FBA];
	_ =	sdelay $0x3  }
0x34: {  	[smem:$0x3FBA] =	sst s10  }
0x35: {  	s10 =	sld [smem:$0x3FB9];
	_ =	sdelay $0x3  }
0x36: {  	p1 =	seq.s32 s10, $0x1;
	s10 =	sld [smem:$0x3FBA];
	_ =	sdelay $0x3  }
0x37: {  	[smem:$0x3FBA] =	sst s10  }
0x38: {  	s10 =	sld [smem:$0x3FBB]  }
0x39: {  	_ = 	snop;
	(pc) =	sbr.ind lr, $3  }
0x3a: {  	_ = 	snop  }
0x3b: {  	_ = 	snop  }
0x3c: {  	p2 =	seq.s32 s10, $0x1;
	s10 =	sld [smem:$0x3FBA]  }
0x3d: {  	_ =	shalt  }
0x3e: {  	_ =	shalt  }
0x3f: {  	_ =	shalt  }
0x40: {  	_ =	shalt  }
0x41: {  	_ =	shalt  }
0x42: {  	_ =	shalt  }
0x43: {  	_ =	shalt  }
0x44: {  	_ =	shalt  }
0x45: {  	_ =	shalt  }
0x46: {  	_ =	shalt  }
0x47: {  	_ =	shalt  }
0x48: {  	_ =	shalt  }
0x49: {  	_ =	shalt  }
0x4a: {  	_ =	shalt  }
0x4b: {  	_ =	shalt  }
0x4c: {  	_ =	shalt  }
0x4d: {  	_ =	shalt  }
0x4e: {  	_ =	shalt  }
0x4f: {  	_ =	shalt  }
0x50: {  	_ =	shalt  }
0x51: {  	_ =	shalt  }
0x52: {  	_ =	shalt  }
0x53: {  	_ =	shalt  }
0x54: {  	_ =	shalt  }
0x55: {  	_ =	shalt  }
0x56: {  	_ =	shalt  }
0x57: {  	_ =	shalt  }
0x58: {  	_ =	shalt  }
0x59: {  	_ =	shalt  }
0x5a: {  	_ =	shalt  }
0x5b: {  	_ =	shalt  }
0x5c: {  	_ =	shalt  }
0x5d: {  	_ =	shalt  }
0x5e: {  	_ =	shalt  }
0x5f: {  	_ =	shalt  }
0x60: {  	_ =	shalt  }
0x61: {  	_ =	shalt  }
0x62: {  	_ =	shalt  }
0x63: {  	_ =	shalt  }
0x64: {  	_ =	shalt  }
0x65: {  	_ =	shalt  }
0x66: {  	_ =	shalt  }
0x67: {  	_ =	shalt  }
0x68: {  	_ =	shalt  }
0x69: {  	_ =	shalt  }
0x6a: {  	_ =	shalt  }
0x6b: {  	_ =	shalt  }
0x6c: {  	_ =	shalt  }
0x6d: {  	_ =	shalt  }
0x6e: {  	_ =	shalt  }
0x6f: {  	_ =	shalt  }
0x70: {  	_ =	shalt  }
0x71: {  	_ =	shalt  }
0x72: {  	_ =	shalt  }
0x73: {  	_ =	shalt  }
0x74: {  	_ =	shalt  }
0x75: {  	_ =	shalt  }
0x76: {  	_ =	shalt  }
0x77: {  	_ =	shalt  }
0x78: {  	_ =	shalt  }
0x79: {  	_ =	shalt  }
0x7a: {  	_ =	shalt  }
0x7b: {  	_ =	shalt  }
0x7c: {  	_ =	shalt  }
0x7d: {  	_ =	shalt  }
0x7e: {  	_ =	shalt  }
0x7f: {  	_ =	shalt  }
0x80: {  	_ =	shalt  }
0x81: {  	_ =	shalt  }
0x82: {  	_ =	shalt  }
0x83: {  	_ =	shalt  }
0x84: {  	_ =	shalt  }
0x85: {  	_ =	shalt  }
0x86: {  	_ =	shalt  }
0x87: {  	_ =	shalt  }
.Lfunc_end0:
.L_simem_size_0:
called_computation_lowered:
.L_overlay_start_0:
0x88: {  	s2 =	sld [smem:$0x3FD9]  }
0x89: {  	s3 =	sld [smem:$0x3FFE];
	_ =	sdelay $0x1  }
0x8a: {  	s1 =	srdreg.scid  }
0x8b: {  	s0 =	sand.u32 $0x1, s1  }
0x8c: {  	s14 =	sshll.u32 s0, $0xA;
	s2 =	sadd.s32 s3, s2  }
0x8d: {  	s2 =	sadd.s32 s2, s14  }
0x8e: {  	[smem:$0x3FC6] =	sst s2  }
0x8f: {  	_ = 	snop  }
0x90: {  	s2 =	sld [smem:$0x3FD0];
	_ =	sdelay $0x2  }
0x91: {  	s4 =	simm.s32 $0xA;
	s5 =	simm.s32 $0x10;
	s15 =	sld [smem:$0x3FC8]  }
0x92: {  	[smem:s5], [sflag:s4] =	dma.local [hbm:s2], $0x1  }
0x93: {  	_ =	swait.eq [sflag:s4], $0x1  }
0x94: {  	[sflag:s4] =	ssyncset.done $0x0  }
0x95: {  	s16 =	sld [smem:$0x10];
	[sflag:s4] =	ssyncadd.s32 $0xFFFFFFFF  }
0x96: {  	s17 =	sld [smem:$0x11];
	(tm) =	ssettm $0x1  }
0x97: {  	s18 =	sld [smem:$0x3FFB];
	_ =	sdelay $0x3  }
0x98: {  	_ =	strace s18  }
0x99: {  	s5 =	sld [smem:$0x3FFC];
	_ =	sdelay $0x3  }
0x9a: {  	_ =	strace s5  }
0x9b: {  	s5 =	sld [smem:$0x3FFD];
	_ =	sdelay $0x3  }
0x9c: {  	_ =	strace s5  }
0x9d: {  	_ =	strace $0x8FFFFFFF  }
0x9e: {  	s19 =	sld [smem:$0x3FDB];
	_ =	sdelay $0x1  }
0x9f: {  	s6 =	simm.s32 $_scs_section_size  }
0xa0: {  	s7 =	simm.s32 $_size__tile_overlayer_lowered;
	s8 =	simm.s32 $_tile_overlayer_lowered  }
0xa1: {  	s22 =	simm.s32 $0x1BFF;
	s21 =	sshll.u32 s8, $0x1;
	s5 =	sadd.s32 s6, s19  }
0xa2: {  	s9 =	simm.s32 $0x0;
	s20 =	sshll.u32 s7, $0x1;
	s7 =	sadd.s32 s21, s5  }
0xa3: {  	[timem:s9], [sflag:s22] =	dma.local [hbm:s7], s20  }
0xa4: {  	_ =	swait.ge [sflag:s22], s20  }
0xa5: {  	s6 =	ssub.s32 $0x0, s20;
	[sflag:s22] =	ssyncset.done $0x0  }
0xa6: {  	[sflag:s22] =	ssyncadd.s32 s6;
	_ =	sdelay $0x1  }
0xa7: {  	s23 =	simm.s32 $0x1B8B  }
0xa8: {  	_ =	swait.ge [sflag:s23], $0x1  }
0xa9: {  	[sflag:s23] =	ssyncset.done $0x0  }
0xaa: {  	s25 =	simm.s32 $0x1B8E;
	s24 =	sld [smem:$0x3FFE];
	[sflag:s23] =	ssyncadd.s32 $0xFFFFFFFF  }
0xab: {  	s26 =	simm.s32 $execute0_lowered;
	[smem:$0x3FD2] =	sst s25  }
0xac: {  	s7 =	sshll.u32 s26, $0x1;
	_ =	strace $0x80000046;
	[dreg:$0x1] =	wrdreg $0xFFFFFFFF  }
0xad: {  	s28 =	simm.s32 $_size_execute0_lowered;
	s5 =	sadd.s32 s5, s7;
	[dreg:$0x0] =	wrdreg $0x0  }
0xae: {  	s7 =	sshll.u32 s28, $0x1;
	[dreg:$0x2] =	wrdreg s5  }
0xaf: {  	[dreg:$0x3] =	wrdreg s7  }
0xb0: {  	[dreg:$0x4] =	wrdreg $0xC0  }
0xb1: {  	_ =	task [dreg:s9], $0x5FFFF  }
0xb2: {  	[dreg:$0x1] =	wrdreg $0xFFFFFFFF  }
0xb3: {  	[dreg:$0x0] =	wrdreg $0x60  }
0xb4: {  	[dreg:$0x2] =	wrdreg s24  }
0xb5: {  	[dreg:$0x3] =	wrdreg s15  }
0xb6: {  	[dreg:$0x4] =	wrdreg s16  }
0xb7: {  	[dreg:$0x5] =	wrdreg s17  }
0xb8: {  	[dreg:$0x6] =	wrdreg $0xB6800  }
0xb9: {  	[dreg:$0x7] =	wrdreg $0xB6880  }
0xba: {  	[dreg:$0x8] =	wrdreg $0x9  }
0xbb: {  	_ =	task.clear_ibuf [dreg:s9], $0x9FFFF;
	_ =	strace $0x90000046  }
0xbc: {  	s29 =	simm.s32 $0x9;
	_ =	strace $0x80000048  }
0xbd: {  	_ =	swait.ge [sflag:s29], $0x1  }
0xbe: {  	[sflag:s29] =	ssyncadd.s32 $0xFFFFFFFF  }
0xbf: {  	_ =	strace $0x90000048  }
0xc0: {  	_ =	sfence  }
0xc1: {  	s30 =	sld [smem:$0x0];
	_ =	sdelay $0x2  }
0xc2: {  	s31 =	sshll.u32 s1, $0xD;
	s1 =	sshrl.u32 s1, $0x2  }
0xc3: {  	s3 =	sand.u32 $0x4000, s31;
	s1 =	sadd.s32 s1, s30  }
0xc4: {  	s0 =	sor.u32 s3, s0;
	s1 =	sshll.u32 s1, $0x11  }
0xc5: {  	s0 =	sor.u32 s1, s0  }
0xc6: {  	s0 =	sadd.s32 $0x8F2B, s0  }
0xc7: {  	[sflag:s0] =	ssyncadd.remote.s32 $0x1  }
0xc8: {  	_ =	sfence.sel $0xFFFF  }
0xc9: {  	[dreg:$0x0] =	wrdreg $0xFFFFFFFF;
	(pc) =	sbr.abs _section_cstart, $3  }
0xca: {  	[dreg:$0x1] =	wrdreg $0xFFFFFFFF  }
0xcb: {  	_ =	task.clear_ibuf [dreg:s9], $0x2FFFF;
	_ =	strace $0x9FFFFFFF  }
0xcc: {  	(tm) =	ssettm $0x7FFFFFFF  }
0xcd: {  	_ =	shalt  }
tec
execute0_lowered:
.L_overlay_start_1:
0x0: {  	(tag) =	ssettag $0x1  }
0x1: {  	s0 =	rddreg [dreg:$0x0]  }
0x2: {  	s1 =	rddreg [dreg:$0x2]  }
0x3: {  	s10 =	rddreg [dreg:$0x3]  }
0x4: {  	s2 =	rddreg [dreg:$0x4]  }
0x5: {  	s3 =	rddreg [dreg:$0x5];
	s5 =	srdreg.scid;
	s4 =	simm.s32 $0x0  }
0x6: {  	s14 =	stileid.u32;
	s15 =	simm.s32 $0x3;
	s16 =	simm.s32 $0xB200  }
0x7: {  	s17 =	simm.s32 $0xB300;
	s18 =	simm.s32 $0x80;
	s19 =	simm.s32 $0xB400  }
0x8: {  	s20 =	simm.s32 $0x2;
	s21 =	simm.s32 $0x100;
	s24 =	simm.s32 $0xA200  }
0x9: {  	s25 =	simm.s32 $0x1;
	s26 =	simm.s32 $0x0;
	s5 =	sand.u32 $0x1, s5  }
0xa: {  	[smem:$0x7FF] =	sst s4;
	s7 =	sshll.u32 s14, $0x1;
	s12 =	sshll.u32 s14, $0x6  }
0xb: {  	s9 =	sand.u32 $0x7, s14;
	p0 =	sne.s32 s14, $0x0;
	s6 =	ssub.s32 $0x2, s5  }
0xc: {  	_ =	strace $0x80000047;
	s11 =	sor.u32 s5, s7;
	s5 =	sadd.s32 $0x600, s0  }
0xd: {  	s7 =	sshll.u32 s14, $0x4;
	s30 =	sand.u32 $0x200, s12;
	s13 =	sshll.u32 s9, $0x6  }
0xe: {  	v0 =	vimm.s32 $0xFFFFFFFF;
	v1 =	vimm.s32 $0x40000000;
	v2 =	vlaneseq.u32;
	s12 =	sshrl.u32 s12, $0x2;
	s8 =	sshrl.u32 s6, $0x1;
	s29 =	sshll.u32 s11, $0xA  }
.Ltmp0:
0xf: {  	v3 =	vimm.s32 $0x0;
	v15 =	vimm.f32 $1.000000000e+10;
	v4 =	vor.u32 $0x10, v2;
	s12 =	sadd.s32 $0x3090, s12;
	s28 =	ssub.s32 s6, s8;
	(pc) =	sbr.rel .LBB2_1-.Ltmp0, $4  }
0x10: {  	v5 =	vor.u32 $0x20, v2;
	v6 =	vor.u32 $0x30, v2;
	v12 =	vmul.u32 $0xFFFFFFFF, v2;
	s6 =	sshll.u32 s11, $0x7;
	s8 =	sadd.s32 s1, s29;
	s1 =	sor.u32 s13, s30  }
0x11: {  	v7 =	vor.u32 $0x40, v2;
	v8 =	vor.u32 $0x50, v2;
	v9 =	vor.u32 $0x60, v2;
	s11 =	sshll.u32 s11, $0x9;
	s22 =	sor.u32 $0x1000, s6;
	s1 =	sor.u32 $0x3C, s1  }
0x12: {  	v10 =	vor.u32 $0x70, v2;
	v11 =	vadd.s32 $0x1, v2;
	v12 =	vadd.s32 $0xF, v12;
	s23 =	sor.u32 $0x2000, s6;
	s9 =	sadd.s32 $0x10, s8;
	s31 =	sshrl.u32 s1, $0x2  }
0x13: {  	s10 =	sadd.s32 s10, s11;
	s11 =	smax.u32 s28, $0x1;
	v16 =	vmov s6;
	v13 =	vmov s22;
	v14 =	vmov s23;
	s13 =	sadd.s32 $0x3080, s31  }
.LBB2_46:
0x14: {  	s0 =	simm.s32 $0x8200  }
0x15: {  	[hbm4b:s8+s18] =	stream.strided.scatter [tilespmem:s0], [sflag:$0x1], $0x1000, s21, s18, $0x38;
	[tilespmem:$0xB690] =	vst v63  }
0x16: {  	s31 =	simm.s32 $0x9200  }
0x17: {  	[hbm4b:s9+s18] =	stream.strided.scatter [tilespmem:s31], [sflag:$0x1], $0x1000, s21, s18, $0x38;
	[tilespmem:$0xB690] =	vst v63  }
0x18: {  	_ = 	snop  }
0x19: {  	[hbm4b:s10+s4] =	stream.linear.scatter [tilespmem:s24], [sflag:$0x1], $0x1000, $0x38;
	[tilespmem:$0xB690] =	vst v63  }
0x1a: {  	_ =	swait.ge [sflag:s25], $0x1000  }
0x1b: {  	[sflag:s25] =	ssyncset.done $0x0  }
0x1c: {  	s26 =	sadd.s32 $0x1, s26;
	[sflag:s25] =	ssyncadd.s32 $0xFFFFF000  }
0x1d: {  	p1 =	sne.s32 s26, s11;
	_ =	swait.ge [sflag:s25], $0x1000  }
.Ltmp1:
0x1e: {  	[sflag:s25] =	ssyncset.done $0x0;
	(pc) =	sbr.rel @!p1 .LBB2_47-.Ltmp1, $4  }
0x1f: {  	[sflag:s25] =	ssyncadd.s32 $0xFFFFF000  }
0x20: {  	_ =	swait.ge [sflag:s25], $0x1000  }
0x21: {  	[sflag:s25] =	ssyncset.done $0x0  }
0x22: {  	[sflag:s25] =	ssyncadd.s32 $0xFFFFF000  }
.LBB2_1:
0x23: {  	[tilespmem:s4], [sflag:$0x2] =	stream.linear.gather [hbm4b:s5+s4], $0x3000, $0x38;
	[tilespmem:$0xB690] =	vst v63  }
0x24: {  	s0 =	rddreg [dreg:$0x1];
	s1 =	simm.s32 $0x3090  }
0x25: {  	[tilespmem:s1], [sflag:$0x3] =	stream.linear.gather [hbm4b:s0+s4], $0x1000, $0x38;
	[tilespmem:$0xB690] =	vst v63  }
0x26: {  	_ =	swait.ge [sflag:s15], $0x1000  }
0x27: {  	[sflag:s15] =	ssyncset.done $0x0  }
0x28: {  	[sflag:s15] =	ssyncadd.s32 $0xFFFFF000  }
0x29: {  	[tilespmem:$0x3080] =	vst v0  }
0x2a: {  	[tilespmem:$0x4090] =	vst v1  }
0x2b: {  	[tilespmem:$0xB200] =	vst v3  }
0x2c: {  	[tilespmem:$0xB300] =	vst v3  }
0x2d: {  	[tilespmem:$0xB400] =	vst v2  }
0x2e: {  	[tilespmem:$0xB210] =	vst v3  }
0x2f: {  	[tilespmem:$0xB310] =	vst v3  }
0x30: {  	[tilespmem:$0xB410] =	vst v4  }
0x31: {  	[tilespmem:$0xB220] =	vst v3  }
0x32: {  	[tilespmem:$0xB320] =	vst v3  }
0x33: {  	[tilespmem:$0xB420] =	vst v5  }
0x34: {  	[tilespmem:$0xB230] =	vst v3  }
0x35: {  	[tilespmem:$0xB330] =	vst v3  }
0x36: {  	[tilespmem:$0xB430] =	vst v6  }
0x37: {  	[tilespmem:$0xB240] =	vst v3  }
0x38: {  	[tilespmem:$0xB340] =	vst v3  }
0x39: {  	[tilespmem:$0xB440] =	vst v7  }
0x3a: {  	[tilespmem:$0xB250] =	vst v3  }
0x3b: {  	[tilespmem:$0xB350] =	vst v3  }
0x3c: {  	[tilespmem:$0xB450] =	vst v8  }
0x3d: {  	[tilespmem:$0xB260] =	vst v3  }
0x3e: {  	[tilespmem:$0xB360] =	vst v3  }
0x3f: {  	[tilespmem:$0xB460] =	vst v9  }
0x40: {  	[tilespmem:$0xB270] =	vst v3  }
0x41: {  	[tilespmem:$0xB370] =	vst v3  }
0x42: {  	s0 =	simm.s32 @!p0 $0xB200;
	[tilespmem:$0xB470] =	vst v10  }
0x43: {  	[spmem:s2] =	stream.linear.scatter @!p0 [tilespmem:s0], [sflag:$0x3], $0x80, $0x38;
	[tilespmem:$0xB690] =	vst v63  }
0x44: {  	s0 =	simm.s32 @!p0 $0x3  }
0x45: {  	_ =	swait.ge @!p0 [sflag:s0], $0x80  }
0x46: {  	[sflag:s0] =	ssyncset.done @!p0 $0x0  }
0x47: {  	s1 =	simm.s32 @!p0 $0xB300;
	[sflag:s0] =	ssyncadd.s32 @!p0 $0xFFFFFF80  }
0x48: {  	[spmem:s3] =	stream.linear.scatter @!p0 [tilespmem:s1], [sflag:$0x3], $0x80, $0x38;
	[tilespmem:$0xB690] =	vst v63  }
0x49: {  	_ =	swait.ge @!p0 [sflag:s0], $0x80  }
0x4a: {  	[sflag:s0] =	ssyncset.done @!p0 $0x0  }
0x4b: {  	[sflag:s0] =	ssyncadd.s32 @!p0 $0xFFFFFF80;
	s0 =	simm.s32 @!p0 $0x11  }
0x4c: {  	s0 =	simm.s32 @p0 $0x10  }
0x4d: {  	p2 =	sne.s32 s0, $0x1  }
.Ltmp2:
0x4e: {  	_ = 	snop;
	(pc) =	sbr.rel @!p2 .LBB2_2-.Ltmp2, $4  }
0x4f: {  	_ = 	snop  }
0x50: {  	[bflag:$0x0] =	sbarrier.arrive $0xFFFF  }
0x51: {  	v17 =	vld [tilespmem:s13+$0x0]  }
0x52: {  	p1 =	por $0x0, $0x0;
	v18 =	vld [tilespmem:s12+$0x0];
	s1 =	sadd.s32 $0xFFFFFFFF, s0  }
0x53: {  	_ =	sdelay $0x2  }
0x54: {  	v19 =	vor.u32 s7, v2  }
0x55: {  	vm1 =	vlt.s32 v19, $0x1000;
	vm0 =	vne.s32 v18, v17  }
0x56: {  	vm2 =	vgt.s32 v19, $0x0;
	vm1 =	vmand vm1, vm0  }
0x57: {  	vm0 =	vmand vm2, vm0;
	_ =	sdelay $0x3  }
0x58: {  	v20 =	vadd.s32 s7, v11;
	p2 =	sne.s32 s1, $0x1  }
.Ltmp3:
0x59: {  	[tilespmem:v18+s16+$0x0] =	vst.idx.msk vm1, v20;
	(pc) =	sbr.rel @!p2 .LBB2_4-.Ltmp3, $4  }
0x5a: {  	s0 =	sadd.s32 $0x100, s13;
	[tilespmem:v17+s17+$0x0] =	vst.idx.msk vm0, v19  }
0x5b: {  	s14 =	sadd.s32 $0x100, s12;
	v17 =	vld [tilespmem:s0+$0x0]  }
0x5c: {  	v18 =	vld [tilespmem:s14+$0x0]  }
0x5d: {  	s22 =	sadd.s32 $0xFFFFFFFF, s1;
	p1 =	por $0x1, $0x1;
	s1 =	smov.u32 s7  }
.LBB2_5:
0x5e: {  	p2 =	sne.s32 s22, $0x1  }
0x5f: {  	s1 =	sadd.s32 $0x100, s1  }
0x60: {  	v19 =	vor.u32 s1, v2  }
0x61: {  	vm1 =	vlt.s32 v19, $0x1000;
	vm2 =	vgt.s32 v19, $0x0;
	vm0 =	vne.s32 v18, v17  }
0x62: {  	vm1 =	vmand vm1, vm0;
	vm0 =	vmand vm2, vm0;
	_ =	sdelay $0x4  }
0x63: {  	v20 =	vadd.s32 s1, v11  }
.Ltmp4:
0x64: {  	[tilespmem:v18+s16+$0x0] =	vst.idx.msk vm1, v20;
	(pc) =	sbr.rel @p2 .LBB2_5-.Ltmp4, $4  }
0x65: {  	s0 =	sadd.s32 $0x100, s0;
	[tilespmem:v17+s17+$0x0] =	vst.idx.msk vm0, v19  }
0x66: {  	s14 =	sadd.s32 $0x100, s14;
	v17 =	vld [tilespmem:s0+$0x0]  }
0x67: {  	v18 =	vld [tilespmem:s14+$0x0]  }
0x68: {  	s22 =	sadd.s32 $0xFFFFFFFF, s22  }
.LBB2_6:
0x69: {  	s0 =	sadd.s32 @p1 $0x100, s1;
	s1 =	smov.u32 s7  }
0x6a: {  	s1 =	smov.u32 @p1 s0  }
0x6b: {  	v19 =	vor.u32 s1, v2  }
0x6c: {  	vm0 =	vne.s32 v18, v17;
	vm1 =	vlt.s32 v19, $0x1000  }
0x6d: {  	vm2 =	vgt.s32 v19, $0x0;
	vm1 =	vmand vm1, vm0  }
0x6e: {  	vm0 =	vmand vm2, vm0;
	_ =	sdelay $0x3  }
0x6f: {  	v20 =	vadd.s32 s1, v11  }
0x70: {  	[tilespmem:v18+s16+$0x0] =	vst.idx.msk vm1, v20  }
0x71: {  	[tilespmem:v17+s17+$0x0] =	vst.idx.msk vm0, v19  }
0x72: {  	[spmem:s2] =	stream.indirect.scatter.add.s32 [tilespmem:s16], [sflag:$0x3], $0x1, s19, s18, $0xb8;
	[tilespmem:$0xB690] =	vst v63  }
0x73: {  	_ =	swait.ge [sflag:s15], $0x80  }
0x74: {  	[sflag:s15] =	ssyncset.done $0x0  }
0x75: {  	[sflag:s15] =	ssyncadd.s32 $0xFFFFFF80  }
0x76: {  	[spmem:s3] =	stream.indirect.scatter.add.s32 [tilespmem:s17], [sflag:$0x3], $0x1, s19, s18, $0xb8;
	[tilespmem:$0xB690] =	vst v63  }
0x77: {  	_ =	swait.ge [sflag:s15], $0x80  }
0x78: {  	[sflag:s15] =	ssyncset.done $0x0  }
0x79: {  	[sflag:s15] =	ssyncadd.s32 $0xFFFFFF80  }
0x7a: {  	[bflag:$0x0] =	sbarrier.arrive $0xFFFF  }
0x7b: {  	[tilespmem:s16], [sflag:$0x3] =	stream.linear.gather [spmem:s2], $0x80, $0x38;
	[tilespmem:$0xB690] =	vst v63  }
0x7c: {  	_ =	swait.ge [sflag:s15], $0x80  }
0x7d: {  	[sflag:s15] =	ssyncset.done $0x0  }
0x7e: {  	[sflag:s15] =	ssyncadd.s32 $0xFFFFFF80  }
0x7f: {  	[tilespmem:s17], [sflag:$0x3] =	stream.linear.gather [spmem:s3], $0x80, $0x38;
	[tilespmem:$0xB690] =	vst v63  }
0x80: {  	_ =	swait.ge [sflag:s15], $0x80  }
0x81: {  	[sflag:s15] =	ssyncset.done $0x0  }
0x82: {  	[sflag:s15] =	ssyncadd.s32 $0xFFFFFF80  }
0x83: {  	_ =	swait.ge [sflag:s20], $0x3000  }
0x84: {  	[sflag:s20] =	ssyncset.done $0x0  }
0x85: {  	[sflag:s20] =	ssyncadd.s32 $0xFFFFD000  }
0x86: {  	v17 =	vld [tilespmem:s6+$0x3090];
	_ =	sdelay $0x7  }
0x87: {  	v18 =	vld.idx.msk [tilespmem:v17+s16+$0x0], $0xffff;
	_ =	sdelay $0x4  }
0x88: {  	v18 =	vadd.s32 $0xFFFFFFFF, v18  }
0x89: {  	[tilespmem:$0xB480] =	vst v18  }
0x8a: {  	v17 =	vld.idx.msk [tilespmem:v17+s17+$0x0], $0xffff;
	_ =	sdelay $0x4  }
0x8b: {  	[tilespmem:$0xB580] =	vst v17  }
0x8c: {  	v17 =	vld [tilespmem:s6+$0x30A0];
	_ =	sdelay $0x7  }
0x8d: {  	v18 =	vld.idx.msk [tilespmem:v17+s16+$0x0], $0xffff;
	_ =	sdelay $0x4  }
0x8e: {  	v18 =	vadd.s32 $0xFFFFFFFF, v18  }
0x8f: {  	[tilespmem:$0xB490] =	vst v18  }
0x90: {  	v17 =	vld.idx.msk [tilespmem:v17+s17+$0x0], $0xffff;
	_ =	sdelay $0x4  }
0x91: {  	[tilespmem:$0xB590] =	vst v17  }
0x92: {  	v17 =	vld [tilespmem:s6+$0x30B0];
	_ =	sdelay $0x7  }
0x93: {  	v18 =	vld.idx.msk [tilespmem:v17+s16+$0x0], $0xffff;
	_ =	sdelay $0x4  }
0x94: {  	v18 =	vadd.s32 $0xFFFFFFFF, v18  }
0x95: {  	[tilespmem:$0xB4A0] =	vst v18  }
0x96: {  	v17 =	vld.idx.msk [tilespmem:v17+s17+$0x0], $0xffff;
	_ =	sdelay $0x4  }
0x97: {  	[tilespmem:$0xB5A0] =	vst v17  }
0x98: {  	v17 =	vld [tilespmem:s6+$0x30C0];
	_ =	sdelay $0x7  }
0x99: {  	v18 =	vld.idx.msk [tilespmem:v17+s16+$0x0], $0xffff;
	_ =	sdelay $0x4  }
0x9a: {  	v18 =	vadd.s32 $0xFFFFFFFF, v18  }
0x9b: {  	[tilespmem:$0xB4B0] =	vst v18  }
0x9c: {  	v17 =	vld.idx.msk [tilespmem:v17+s17+$0x0], $0xffff;
	_ =	sdelay $0x4  }
0x9d: {  	[tilespmem:$0xB5B0] =	vst v17  }
0x9e: {  	v17 =	vld [tilespmem:s6+$0x30D0];
	_ =	sdelay $0x7  }
0x9f: {  	v18 =	vld.idx.msk [tilespmem:v17+s16+$0x0], $0xffff;
	_ =	sdelay $0x4  }
0xa0: {  	v18 =	vadd.s32 $0xFFFFFFFF, v18  }
0xa1: {  	[tilespmem:$0xB4C0] =	vst v18  }
0xa2: {  	v17 =	vld.idx.msk [tilespmem:v17+s17+$0x0], $0xffff;
	_ =	sdelay $0x4  }
0xa3: {  	[tilespmem:$0xB5C0] =	vst v17  }
0xa4: {  	v17 =	vld [tilespmem:s6+$0x30E0];
	_ =	sdelay $0x7  }
0xa5: {  	v18 =	vld.idx.msk [tilespmem:v17+s16+$0x0], $0xffff;
	_ =	sdelay $0x4  }
0xa6: {  	v18 =	vadd.s32 $0xFFFFFFFF, v18  }
0xa7: {  	[tilespmem:$0xB4D0] =	vst v18  }
0xa8: {  	v17 =	vld.idx.msk [tilespmem:v17+s17+$0x0], $0xffff;
	_ =	sdelay $0x4  }
0xa9: {  	[tilespmem:$0xB5D0] =	vst v17  }
0xaa: {  	v17 =	vld [tilespmem:s6+$0x30F0];
	_ =	sdelay $0x7  }
0xab: {  	v18 =	vld.idx.msk [tilespmem:v17+s16+$0x0], $0xffff;
	_ =	sdelay $0x4  }
0xac: {  	v18 =	vadd.s32 $0xFFFFFFFF, v18  }
0xad: {  	[tilespmem:$0xB4E0] =	vst v18  }
0xae: {  	v17 =	vld.idx.msk [tilespmem:v17+s17+$0x0], $0xffff;
	_ =	sdelay $0x4  }
0xaf: {  	[tilespmem:$0xB5E0] =	vst v17  }
0xb0: {  	v17 =	vld [tilespmem:s6+$0x3100];
	_ =	sdelay $0x7  }
0xb1: {  	v18 =	vld.idx.msk [tilespmem:v17+s16+$0x0], $0xffff;
	_ =	sdelay $0x4  }
0xb2: {  	v18 =	vadd.s32 $0xFFFFFFFF, v18  }
0xb3: {  	[tilespmem:$0xB4F0] =	vst v18  }
0xb4: {  	v17 =	vld.idx.msk [tilespmem:v17+s17+$0x0], $0xffff  }
.Ltmp5:
0xb5: {  	_ = 	snop;
	(pc) =	sbr.rel .LBB2_7-.Ltmp5, $2  }
0xb6: {  	_ =	sdelay $0x2  }
0xb7: {  	s28 =	simm.s32 $0x0;
	[tilespmem:$0xB5F0] =	vst v17  }
.LBB2_37:
0xb8: {  	_ = 	snop  }
.LBB2_44:
0xb9: {  	v21, v26, _ =	vpop @p3 (xrf1)  }
0xba: {  	v21 =	vpsel p3, v21, v17  }
0xbb: {  	v26 =	vpsel p3, v26, v18;
	vm0 =	vle.f32 @p2 v21, v25  }
0xbc: {  	v21 =	vsel @p2 vm0, v21, v25;
	v24 =	vsel @p2 vm0, v26, v24  }
0xbd: {  	(xrf1) =	vsort.ascd.msk.f32 @p2 $0xffff, v21, v24;
	_ =	sdelay $0x7  }
0xbe: {  	v21, v24, _ =	vpop (xrf1)  }
0xbf: {  	v24 =	vperm.xlane v24, v12  }
0xc0: {  	v21 =	vperm.xlane v21, v12;
	v25, v26, _ =	vpop @p1 (xrf1)  }
0xc1: {  	v19 =	vpsel p1, v25, v19  }
0xc2: {  	v25, v27, _ =	vpop @p1 (xrf1);
	v20 =	vpsel p1, v26, v20;
	vm14 =	vle.f32 v19, v21  }
0xc3: {  	v25 =	vperm.xlane @p1 v25, v12;
	v27 =	vperm.xlane @p1 v27, v12;
	v63 =	vsel vm14, v19, v21  }
0xc4: {  	v28 =	vsel vm14, v20, v24;
	v19 =	vsel vm14, v21, v19;
	v20 =	vsel vm14, v24, v20;
	v21, v24, _ =	vpop @p2 (xrf1)  }
0xc5: {  	(xrf1) =	vsort.ascd.msk.f32 $0xffff, v63, v28;
	v23 =	vpsel p1, v25, v23;
	v21 =	vpsel p2, v21, v17  }
0xc6: {  	v22 =	vpsel p1, v27, v22;
	v24 =	vpsel p2, v24, v18;
	vm0 =	vle.f32 @p1 v21, v23  }
0xc7: {  	(xrf1) =	vsort.ascd.msk.f32 $0xffff, v19, v20;
	v19 =	vsel @p1 vm0, v21, v23;
	v20 =	vsel @p1 vm0, v24, v22  }
0xc8: {  	(xrf1) =	vsort.ascd.msk.f32 @p1 $0xffff, v19, v20;
	_ =	sdelay $0xb  }
0xc9: {  	v19, v20, _ =	vpop (xrf1)  }
0xca: {  	v21, v22, _ =	vpop (xrf1)  }
0xcb: {  	v21 =	vperm.xlane v21, v12;
	v23, v24, _ =	vpop @p1 (xrf1)  }
0xcc: {  	v22 =	vperm.xlane v22, v12;
	v17 =	vpsel p1, v23, v17  }
0xcd: {  	v18 =	vpsel p1, v24, v18;
	vm15 =	vle.f32 v17, v21  }
0xce: {  	v17 =	vsel vm15, v17, v21;
	v18 =	vsel vm15, v18, v22  }
0xcf: {  	(xrf1) =	vsort.ascd.msk.f32 $0xffff, v17, v18;
	_ =	sdelay $0xd  }
0xd0: {  	v17, v18, _ =	vpop (xrf1)  }
.LBB2_45:
0xd1: {  	v21 =	vshrl.u32 v19, $0x1;
	v22 =	vmul.f32 $5.000000000e-01, v19  }
0xd2: {  	v23 =	vshrl.u32 v17, $0x1;
	v24 =	vmul.f32 $5.000000000e-01, v17;
	v21 =	vsub.s32 $0x5F3759DF, v21  }
0xd3: {  	v23 =	vsub.s32 $0x5F3759DF, v23;
	v22 =	vmul.f32 v21, v22  }
0xd4: {  	v24 =	vmul.f32 v23, v24  }
0xd5: {  	v22 =	vmul.f32 v21, v22  }
0xd6: {  	v24 =	vmul.f32 v23, v24  }
0xd7: {  	v22 =	vsub.f32 $1.500000000e+00, v22  }
0xd8: {  	vm0 =	vlt.f32 v19, $5.000000000e+09;
	v24 =	vsub.f32 $1.500000000e+00, v24  }
0xd9: {  	vm1 =	vlt.f32 v17, $5.000000000e+09;
	s0 =	sshll.u32 s30, $0x5;
	v20 =	vnsel vm0, s29, v20;
	v21 =	vmul.f32 v21, v22  }
0xda: {  	p1 =	slt.u32 s28, $0x7E;
	v18 =	vnsel vm1, s29, v18;
	[tilespmem:s0+$0x8200] =	vst v20;
	v63 =	vmul.f32 v23, v24  }
.Ltmp6:
0xdb: {  	[tilespmem:s0+$0x8210] =	vst v18;
	v18 =	vmov s29;
	v19 =	vmul.f32 v21, v19;
	(pc) =	sbr.rel @!p1 .LBB2_46-.Ltmp6, $4  }
0xdc: {  	[tilespmem:s0+$0x9200] =	vst v18;
	v17 =	vmul.f32 v63, v17  }
0xdd: {  	[tilespmem:s0+$0x9210] =	vst v18;
	v18 =	vnsel vm0, $0x0, v19  }
0xde: {  	s1 =	sadd.s32 $0x2, s28;
	v17 =	vnsel vm1, $0x0, v17;
	[tilespmem:s0+$0xA200] =	vst v18  }
0xdf: {  	s28 =	smov.u32 s1;
	[tilespmem:s0+$0xA210] =	vst v17  }
.LBB2_7:
0xe0: {  	v17 =	vld [tilespmem:s28+$0xB480]  }
0xe1: {  	v20 =	vld [tilespmem:s28+$0xB580];
	_ =	sdelay $0x3  }
0xe2: {  	(v2sf) =	vpush v17, $0x0  }
0xe3: {  	(v2sf) =	vpush v20, $0x0;
	_ =	sdelay $0xd  }
0xe4: {  	s30 =	spop (v2sf)  }
0xe5: {  	s0 =	spop (v2sf)  }
0xe6: {  	s0 =	ssub.s32 s0, s30  }
0xe7: {  	s0 =	sadd.s32 $0xF, s0  }
0xe8: {  	s0 =	sshra.s32 s0, $0x4  }
0xe9: {  	p1 =	sgt.s32 s0, $0x2  }
.Ltmp7:
0xea: {  	_ = 	snop;
	(pc) =	sbr.rel @p1 .LBB2_9-.Ltmp7, $4  }
0xeb: {  	_ = 	snop  }
0xec: {  	v21 =	vld.idx.msk [tilespmem:v16+s28+$0x0 ss:$0x1], $0xffff  }
0xed: {  	v18 =	vld.idx.msk [tilespmem:v13+s28+$0x0 ss:$0x1], $0xffff  }
0xee: {  	s29 =	sor.u32 s6, s28;
	v19 =	vld.idx.msk [tilespmem:v14+s28+$0x0 ss:$0x1], $0xffff  }
0xef: {  	v22 =	vld [tilespmem:s30+$0x0]  }
0xf0: {  	v23 =	vld [tilespmem:s30+$0x1000]  }
0xf1: {  	v24 =	vld [tilespmem:s30+$0x10]  }
0xf2: {  	v25 =	vld [tilespmem:s30+$0x1010]  }
0xf3: {  	v26 =	vld [tilespmem:s30+$0x2000]  }
0xf4: {  	v27 =	vld [tilespmem:s30+$0x2010];
	v21 =	vbroadcast v21, $0x0  }
0xf5: {  	v18 =	vbroadcast v18, $0x0  }
0xf6: {  	v19 =	vbroadcast v19, $0x0;
	v22 =	vsub.f32 v21, v22  }
0xf7: {  	v23 =	vsub.f32 v18, v23;
	v21 =	vsub.f32 v21, v24  }
0xf8: {  	v17 =	vbroadcast v17, $0x0;
	v18 =	vsub.f32 v18, v25;
	v63 =	vsub.f32 v19, v26  }
0xf9: {  	v19 =	vsub.f32 v19, v27;
	v22 =	vmul.f32 v22, v22;
	v23 =	vmul.f32 v23, v23  }
0xfa: {  	v21 =	vmul.f32 v21, v21;
	v18 =	vmul.f32 v18, v18  }
0xfb: {  	v20 =	vbroadcast v20, $0x0;
	v17 =	vadd.s32 v2, v17;
	v19 =	vmul.f32 v19, v19  }
0xfc: {  	v22 =	vadd.f32 v23, v22;
	v23 =	vmul.f32 v63, v63;
	v21 =	vadd.f32 v18, v21  }
0xfd: {  	s0 =	sadd.s32 $0x10, s30;
	vm0 =	vlt.s32 v17, v20;
	vm1 =	vne.s32 v17, s29  }
.Ltmp8:
0xfe: {  	v18 =	vadd.s32 s0, v2;
	v22 =	vadd.f32 v23, v22;
	v21 =	vadd.f32 v19, v21;
	(pc) =	sbr.rel .LBB2_16-.Ltmp8, $4  }
0xff: {  	vm0 =	vmand vm0, vm1;
	vm14 =	vlt.s32 v18, v20;
	vm2 =	vne.s32 v18, s29  }
0x100: {  	vm1 =	vmand vm14, vm2;
	vm3 =	vle.f32 v22, $1.000000000e+02;
	vm15 =	vle.f32 v21, $1.000000000e+02  }
0x101: {  	vm0 =	vmand vm0, vm3;
	vm1 =	vmand vm1, vm15  }
0x102: {  	s0 =	simm.s32 $0x20;
	v19 =	vnsel vm0, $0x501502F9, v22;
	v20 =	vnsel vm1, $0x501502F9, v21  }
.LBB2_9:
0x103: {  	p1 =	seq.s32 s0, $0x3  }
.Ltmp9:
0x104: {  	_ = 	snop;
	(pc) =	sbr.rel @!p1 .LBB2_10-.Ltmp9, $1  }
0x105: {  	_ =	sdelay $0x3  }
0x106: {  	v22 =	vld [tilespmem:s30+$0x0]  }
0x107: {  	v23 =	vld [tilespmem:s30+$0x1000];
	_ =	sdelay $0x2  }
0x108: {  	v24 =	vld [tilespmem:s30+$0x2000];
	v21 =	vbroadcast v21, $0x0;
	v18 =	vbroadcast v18, $0x0  }
0x109: {  	v25 =	vld [tilespmem:s30+$0x10]  }
0x10a: {  	v26 =	vld [tilespmem:s30+$0x1010];
	v22 =	vsub.f32 v21, v22;
	v23 =	vsub.f32 v18, v23  }
0x10b: {  	v27 =	vld [tilespmem:s30+$0x20]  }
0x10c: {  	v28 =	vld [tilespmem:s30+$0x1020];
	v22 =	vmul.f32 v22, v22;
	v23 =	vmul.f32 v23, v23  }
0x10d: {  	v29 =	vld [tilespmem:s30+$0x2010];
	v17 =	vbroadcast v17, $0x0  }
0x10e: {  	v20 =	vbroadcast v20, $0x0;
	s31 =	sadd.s32 $0x20, s30;
	v22 =	vadd.f32 v23, v22;
	v23 =	vld [tilespmem:s30+$0x2020]  }
0x10f: {  	v19 =	vbroadcast v19, $0x0;
	v63 =	vadd.s32 s31, v2;
	v17 =	vadd.s32 v2, v17  }
0x110: {  	vm3 =	vlt.s32 v63, v20;
	v25 =	vsub.f32 v21, v25;
	v21 =	vsub.f32 v21, v27  }
0x111: {  	vm4 =	vne.s32 v63, s29;
	v26 =	vsub.f32 v18, v26;
	v18 =	vsub.f32 v18, v28  }
0x112: {  	vm0 =	vlt.s32 v17, v20;
	v24 =	vsub.f32 v19, v24;
	v61 =	vsub.f32 v19, v29  }
0x113: {  	v21 =	vmul.f32 v21, v21;
	v18 =	vmul.f32 v18, v18;
	v19 =	vsub.f32 v19, v23  }
0x114: {  	vm1 =	vne.s32 v17, s29;
	v25 =	vmul.f32 v25, v25;
	v26 =	vmul.f32 v26, v26  }
0x115: {  	s0 =	sadd.s32 $0x10, s30;
	v24 =	vmul.f32 v24, v24;
	v21 =	vadd.f32 v18, v21;
	v19 =	vmul.f32 v19, v19  }
0x116: {  	v62 =	vmul.f32 v61, v61;
	v18 =	vadd.s32 s0, v2;
	v23 =	vadd.f32 v26, v25  }
0x117: {  	vm3 =	vmand vm3, vm4;
	vm2 =	vlt.s32 v18, v20;
	v19 =	vadd.f32 v19, v21  }
.Ltmp10:
0x118: {  	vm5 =	vne.s32 v18, s29;
	v22 =	vadd.f32 v24, v22;
	v23 =	vadd.f32 v62, v23;
	(pc) =	sbr.rel .LBB2_16-.Ltmp10, $4  }
0x119: {  	vm0 =	vmand vm0, vm1;
	vm12 =	vmand vm2, vm5;
	vm11 =	vle.f32 v19, $1.000000000e+02  }
0x11a: {  	vm14 =	vle.f32 v22, $1.000000000e+02;
	vm15 =	vle.f32 v23, $1.000000000e+02;
	vm13 =	vmand vm3, vm11  }
0x11b: {  	[tilespmem:$0x61A0] =	vst v63;
	vm0 =	vmand vm0, vm14;
	vm1 =	vmand vm12, vm15;
	v19 =	vnsel vm13, $0x501502F9, v19  }
0x11c: {  	s0 =	simm.s32 $0x30;
	v20 =	vnsel vm1, $0x501502F9, v23;
	[tilespmem:$0x4120] =	vst v19;
	v19 =	vnsel vm0, $0x501502F9, v22  }
.LBB2_10:
0x11d: {  	s1 =	sshll.u32 s30, $0x2  }
0x11e: {  	v22 =	vld [tilespmem:s30+$0x1000];
	s1 =	sshra.s32 s1, $0x2  }
0x11f: {  	v23 =	vld [tilespmem:s1+$0x0];
	_ =	sdelay $0x1  }
0x120: {  	v24 =	vld [tilespmem:s30+$0x2000]  }
0x121: {  	v17 =	vbroadcast v21, $0x0;
	v18 =	vbroadcast v18, $0x0;
	_ =	sdelay $0x1  }
0x122: {  	v19 =	vbroadcast v19, $0x0;
	v22 =	vsub.f32 v18, v22;
	v23 =	vsub.f32 v17, v23;
	_ =	sdelay $0x1  }
0x123: {  	v24 =	vsub.f32 v19, v24;
	v22 =	vmul.f32 v22, v22;
	v23 =	vmul.f32 v23, v23  }
0x124: {  	p2 =	sne.s32 s0, $0x1  }
.Ltmp11:
0x125: {  	v24 =	vmul.f32 v24, v24;
	v23 =	vadd.f32 v22, v23;
	(pc) =	sbr.rel @!p2 .LBB2_11-.Ltmp11, $4  }
0x126: {  	v20 =	vbroadcast v20, $0x0  }
0x127: {  	v21 =	vmov s29;
	v22 =	vadd.s32 s30, v2;
	v23 =	vadd.f32 v24, v23  }
0x128: {  	vm0 =	vlt.s32 v22, v20;
	vm1 =	vne.s32 v22, v21  }
0x129: {  	s31 =	simm.s32 $0x0;
	s14 =	sadd.s32 $0xFFFFFFFF, s0;
	p1 =	por $0x0, $0x0;
	vm0 =	vmand vm0, vm1;
	vm1 =	vle.f32 v23, $1.000000000e+02  }
0x12a: {  	vm0 =	vmand vm0, vm1  }
0x12b: {  	v23 =	vnsel vm0, $0x501502F9, v23;
	v24 =	vmpcnt.ones.xlane vm0  }
0x12c: {  	[tilespmem:s31+$0x4100] =	vst.msk vm0, v23  }
0x12d: {  	s0 =	sadd.s32 $0x10, s30;
	[tilespmem:s31+$0x6180] =	vst.msk vm0, v22;
	(v2sf) =	vpush v24, $0x0  }
0x12e: {  	s1 =	sadd.s32 $0x10, s1;
	v22 =	vld [tilespmem:s0+$0x1000]  }
0x12f: {  	v23 =	vld [tilespmem:s1+$0x0];
	_ =	sdelay $0x1  }
0x130: {  	v63 =	vld [tilespmem:s0+$0x2000];
	_ =	sdelay $0x2  }
0x131: {  	v22 =	vsub.f32 v18, v22;
	v23 =	vsub.f32 v17, v23;
	_ =	sdelay $0x1  }
0x132: {  	v24 =	vsub.f32 v19, v63;
	v23 =	vmul.f32 v23, v23;
	v22 =	vmul.f32 v22, v22  }
0x133: {  	p2 =	sne.s32 s14, $0x1  }
.Ltmp12:
0x134: {  	v24 =	vmul.f32 v24, v24;
	v23 =	vadd.f32 v22, v23;
	(pc) =	sbr.rel @!p2 .LBB2_13-.Ltmp12, $4  }
0x135: {  	_ = 	snop  }
0x136: {  	v22 =	vadd.s32 s0, v2;
	v23 =	vadd.f32 v24, v23  }
0x137: {  	s14 =	sadd.s32 $0xFFFFFFFF, s14;
	vm0 =	vlt.s32 v22, v20;
	vm1 =	vne.s32 v22, v21  }
0x138: {  	p1 =	por $0x1, $0x1;
	s30 =	simm.s32 $0x0;
	vm0 =	vmand vm0, vm1;
	vm1 =	vle.f32 v23, $1.000000000e+02;
	s22 =	spop (v2sf)  }
.LBB2_14:
0x139: {  	p2 =	sne.s32 s14, $0x1;
	s14 =	sadd.s32 $0xFFFFFFFF, s14;
	vm0 =	vmand vm0, vm1;
	s30 =	sadd.s32 s30, s22  }
0x13a: {  	v23 =	vnsel vm0, $0x501502F9, v23;
	v24 =	vmpcnt.ones.xlane vm0  }
0x13b: {  	[tilespmem:s30+$0x4100] =	vst.msk vm0, v23  }
0x13c: {  	s0 =	sadd.s32 $0x10, s0;
	[tilespmem:s30+$0x6180] =	vst.msk vm0, v22;
	(v2sf) =	vpush v24, $0x0  }
0x13d: {  	s1 =	sadd.s32 $0x10, s1;
	v22 =	vld [tilespmem:s0+$0x1000]  }
0x13e: {  	v23 =	vld [tilespmem:s1+$0x0];
	_ =	sdelay $0x1  }
0x13f: {  	v24 =	vld [tilespmem:s0+$0x2000];
	_ =	sdelay $0x1  }
0x140: {  	v22 =	vsub.f32 v18, v22  }
0x141: {  	v23 =	vsub.f32 v17, v23;
	_ =	sdelay $0x1  }
0x142: {  	v22 =	vmul.f32 v22, v22;
	v24 =	vsub.f32 v19, v24;
	v23 =	vmul.f32 v23, v23;
	_ =	sdelay $0x1  }
.Ltmp13:
0x143: {  	v23 =	vadd.f32 v22, v23;
	v24 =	vmul.f32 v24, v24;
	(pc) =	sbr.rel @p2 .LBB2_14-.Ltmp13, $4  }
0x144: {  	_ = 	snop  }
0x145: {  	v22 =	vadd.s32 s0, v2;
	v23 =	vadd.f32 v24, v23  }
0x146: {  	vm0 =	vlt.s32 v22, v20;
	vm1 =	vne.s32 v22, v21  }
0x147: {  	vm0 =	vmand vm0, vm1;
	vm1 =	vle.f32 v23, $1.000000000e+02;
	s22 =	spop (v2sf)  }
.LBB2_15:
0x148: {  	vm0 =	vmand vm0, vm1  }
0x149: {  	v17 =	vmpcnt.ones.xlane vm0;
	_ =	sdelay $0x1  }
0x14a: {  	(v2sf) =	vpush v17, $0x0;
	_ =	sdelay $0xc  }
0x14b: {  	s0 =	sadd.s32 @p1 s30, s22  }
0x14c: {  	s31 =	smov.u32 @p1 s0;
	v17 =	vnsel vm0, $0x501502F9, v23  }
0x14d: {  	[tilespmem:s31+$0x4100] =	vst.msk vm0, v17;
	s30 =	spop (v2sf)  }
0x14e: {  	[tilespmem:s31+$0x6180] =	vst.msk vm0, v22;
	s0 =	sadd.s32 s31, s30  }
0x14f: {  	[tilespmem:s0+$0x4100] =	vst v15  }
0x150: {  	[tilespmem:s0+$0x4110] =	vst v15  }
0x151: {  	v19 =	vld [tilespmem:$0x4100]  }
0x152: {  	v17 =	vld [tilespmem:$0x6180]  }
0x153: {  	v20 =	vld [tilespmem:$0x4110]  }
0x154: {  	v18 =	vld [tilespmem:$0x6190]  }
.LBB2_16:
0x155: {  	_ =	sdelay $0x2  }
0x156: {  	(xrf1) =	vsort.ascd.msk.f32 $0xffff, v19, v17  }
0x157: {  	(xrf1) =	vsort.ascd.msk.f32 $0xffff, v20, v18;
	_ =	sdelay $0xc  }
0x158: {  	v17, v18, _ =	vpop (xrf1)  }
0x159: {  	v19, v20, _ =	vpop (xrf1)  }
0x15a: {  	v19 =	vperm.xlane v19, v12  }
0x15b: {  	v20 =	vperm.xlane v20, v12  }
0x15c: {  	vm0 =	vle.f32 v17, v19  }
0x15d: {  	v21 =	vsel vm0, v17, v19;
	v22 =	vsel vm0, v18, v20  }
0x15e: {  	v17 =	vsel vm0, v19, v17;
	v18 =	vsel vm0, v20, v18;
	(xrf1) =	vsort.ascd.msk.f32 $0xffff, v21, v22  }
0x15f: {  	(xrf1) =	vsort.ascd.msk.f32 $0xffff, v17, v18;
	_ =	sdelay $0x6  }
0x160: {  	s1 =	sadd.s32 $0xF, s0  }
0x161: {  	s1 =	sshra.s32 s1, $0x4  }
0x162: {  	p1 =	slt.s32 s1, $0x3  }
.Ltmp14:
0x163: {  	_ = 	snop;
	(pc) =	sbr.rel @p1 .LBB2_26-.Ltmp14, $3  }
0x164: {  	_ =	sdelay $0x1  }
0x165: {  	v19, v20, _ =	vpop (xrf1)  }
0x166: {  	v17, v18, _ =	vpop (xrf1)  }
0x167: {  	s14 =	simm.s32 $0x4120  }
0x168: {  	s22 =	simm.s32 $0x61A0;
	s31 =	sadd.s32 $0xFFFFFFFE, s1;
	v22 =	vld [tilespmem:s14+$0x0]  }
0x169: {  	v23 =	vld [tilespmem:s22+$0x0];
	p4 =	sne.s32 s31, $0x1  }
.Ltmp15:
0x16a: {  	s30 =	simm.s32 $0x20;
	(pc) =	sbr.rel @!p4 .LBB2_18-.Ltmp15, $4  }
0x16b: {  	v21 =	vmov s0;
	v24 =	vor.u32 s30, v2  }
0x16c: {  	vm0 =	vlt.s32 v24, v21  }
0x16d: {  	p1 =	por $0x0, $0x0;
	v22 =	vnsel vm0, $0x501502F9, v22  }
0x16e: {  	p2 =	por $0x0, $0x0;
	p3 =	por $0x0, $0x0;
	s0 =	sadd.s32 $0xFFFFFFFF, s31;
	(xrf1) =	vsort.ascd.msk.f32 $0xffff, v22, v23  }
0x16f: {  	_ =	sdelay $0x9  }
0x170: {  	s1 =	simm.s32 $0x4130  }
0x171: {  	s30 =	simm.s32 $0x61B0;
	v22 =	vld [tilespmem:s1+$0x0]  }
0x172: {  	v23 =	vld [tilespmem:s30+$0x0]  }
0x173: {  	s31 =	simm.s32 $0x30;
	v24, v25, _ =	vpop (xrf1)  }
0x174: {  	p4 =	sne.s32 s0, $0x1;
	v26 =	vor.u32 s31, v2;
	v24 =	vperm.xlane v24, v12  }
.Ltmp16:
0x175: {  	vm0 =	vlt.s32 v26, v21;
	v25 =	vperm.xlane v25, v12;
	(pc) =	sbr.rel @!p4 .LBB2_20-.Ltmp16, $4  }
0x176: {  	v22 =	vnsel vm0, $0x501502F9, v22;
	vm15 =	vle.f32 v19, v24  }
0x177: {  	(xrf1) =	vsort.ascd.msk.f32 $0xffff, v22, v23;
	v22 =	vsel vm15, v19, v24;
	v23 =	vsel vm15, v20, v25  }
0x178: {  	v24 =	vsel vm15, v24, v19;
	v25 =	vsel vm15, v25, v20;
	(xrf1) =	vsort.ascd.msk.f32 $0xffff, v22, v23  }
0x179: {  	s0 =	sadd.s32 $0xFFFFFFFF, s0;
	p1 =	por $0x1, $0x1;
	(xrf1) =	vsort.ascd.msk.f32 $0xffff, v24, v25  }
0x17a: {  	_ =	sdelay $0x7  }
0x17b: {  	s1 =	simm.s32 $0x4140  }
0x17c: {  	s30 =	simm.s32 $0x61C0;
	v22 =	vld [tilespmem:s1+$0x0]  }
0x17d: {  	v23 =	vld [tilespmem:s30+$0x0]  }
0x17e: {  	s31 =	simm.s32 $0x40;
	v24, v25, _ =	vpop (xrf1)  }
0x17f: {  	p4 =	sne.s32 s0, $0x1;
	v26 =	vor.u32 s31, v2;
	v24 =	vperm.xlane v24, v12  }
.Ltmp17:
0x180: {  	vm0 =	vlt.s32 v26, v21;
	v25 =	vperm.xlane v25, v12;
	v63, v27, _ =	vpop (xrf1);
	(pc) =	sbr.rel @!p4 .LBB2_22-.Ltmp17, $4  }
0x181: {  	v22 =	vnsel vm0, $0x501502F9, v22;
	vm15 =	vle.f32 v63, v24  }
0x182: {  	(xrf1) =	vsort.ascd.msk.f32 $0xffff, v22, v23;
	v22 =	vsel vm15, v63, v24;
	v23 =	vsel vm15, v27, v25  }
0x183: {  	v28, v29, _ =	vpop (xrf1);
	v24 =	vsel vm15, v24, v63;
	v25 =	vsel vm15, v25, v27;
	(xrf1) =	vsort.ascd.msk.f32 $0xffff, v22, v23  }
0x184: {  	p2 =	por $0x1, $0x1;
	s1 =	sadd.s32 $0xFFFFFFFF, s0;
	v22 =	vperm.xlane v29, v12;
	v23 =	vperm.xlane v28, v12;
	(xrf1) =	vsort.ascd.msk.f32 $0xffff, v24, v25  }
0x185: {  	_ =	sdelay $0x1  }
0x186: {  	vm0 =	vle.f32 v17, v23  }
0x187: {  	v28 =	vsel vm0, v17, v23;
	v30 =	vsel vm0, v18, v22  }
0x188: {  	(xrf1) =	vsort.ascd.msk.f32 $0xffff, v28, v30;
	_ =	sdelay $0x2  }
0x189: {  	s0 =	simm.s32 $0x4150  }
0x18a: {  	s30 =	simm.s32 $0x61D0;
	v24 =	vld [tilespmem:s0+$0x0]  }
0x18b: {  	v25 =	vld [tilespmem:s30+$0x0]  }
0x18c: {  	s31 =	simm.s32 $0x50  }
0x18d: {  	v29 =	vor.u32 s31, v2;
	v26, v27, _ =	vpop (xrf1)  }
0x18e: {  	p4 =	sne.s32 s1, $0x1;
	vm14 =	vlt.s32 v29, v21;
	v26 =	vperm.xlane v26, v12  }
.Ltmp18:
0x18f: {  	v24 =	vnsel vm14, $0x501502F9, v24;
	v27 =	vperm.xlane v27, v12;
	v63, v31, _ =	vpop (xrf1);
	(pc) =	sbr.rel @!p4 .LBB2_25-.Ltmp18, $4  }
0x190: {  	(xrf1) =	vsort.ascd.msk.f32 $0xffff, v24, v25;
	vm15 =	vle.f32 v63, v26  }
0x191: {  	v24 =	vsel vm15, v63, v26;
	v25 =	vsel vm15, v31, v27  }
0x192: {  	v28, v30, _ =	vpop (xrf1);
	v26 =	vsel vm15, v26, v63;
	v27 =	vsel vm15, v27, v31;
	(xrf1) =	vsort.ascd.msk.f32 $0xffff, v24, v25  }
0x193: {  	s1 =	sadd.s32 $0xFFFFFFFF, s1;
	p3 =	por $0x1, $0x1;
	v24 =	vperm.xlane v30, v12;
	v25 =	vperm.xlane v28, v12;
	(xrf1) =	vsort.ascd.msk.f32 $0xffff, v26, v27  }
.LBB2_24:
0x194: {  	p4 =	sne.s32 s1, $0x1;
	s1 =	sadd.s32 $0xFFFFFFFF, s1;
	v27, v26, _ =	vpop (xrf1)  }
0x195: {  	vm0 =	vle.f32 v27, v25  }
0x196: {  	v25 =	vsel vm0, v27, v25;
	v24 =	vsel vm0, v26, v24  }
0x197: {  	(xrf1) =	vsort.ascd.msk.f32 $0xffff, v25, v24;
	_ =	sdelay $0x2  }
0x198: {  	s0 =	sadd.s32 $0x10, s0  }
0x199: {  	s30 =	sadd.s32 $0x10, s30;
	v24 =	vld [tilespmem:s0+$0x0]  }
0x19a: {  	v25 =	vld [tilespmem:s30+$0x0]  }
0x19b: {  	s31 =	sadd.s32 $0x10, s31  }
0x19c: {  	v26 =	vor.u32 s31, v2;
	v27, v28, _ =	vpop (xrf1)  }
0x19d: {  	vm0 =	vlt.s32 v26, v21;
	v26 =	vperm.xlane v27, v12  }
.Ltmp19:
0x19e: {  	v27 =	vperm.xlane v28, v12;
	v30 =	vnsel vm0, $0x501502F9, v24;
	v29, v28, _ =	vpop (xrf1);
	(pc) =	sbr.rel @p4 .LBB2_24-.Ltmp19, $4  }
0x19f: {  	(xrf1) =	vsort.ascd.msk.f32 $0xffff, v30, v25;
	vm0 =	vle.f32 v29, v26;
	v25, v24, _ =	vpop (xrf1)  }
0x1a0: {  	v30 =	vsel vm0, v29, v26;
	v31 =	vsel vm0, v28, v27;
	v24 =	vperm.xlane v24, v12  }
0x1a1: {  	v26 =	vsel vm0, v26, v29;
	v27 =	vsel vm0, v27, v28;
	(xrf1) =	vsort.ascd.msk.f32 $0xffff, v30, v31  }
0x1a2: {  	v25 =	vperm.xlane v25, v12;
	(xrf1) =	vsort.ascd.msk.f32 $0xffff, v26, v27  }
.LBB2_25:
0x1a3: {  	v21, v26, _ =	vpop @p3 (xrf1)  }
0x1a4: {  	v21 =	vpsel p3, v21, v17  }
0x1a5: {  	v26 =	vpsel p3, v26, v18;
	vm0 =	vle.f32 @p2 v21, v25  }
0x1a6: {  	v21 =	vsel @p2 vm0, v21, v25;
	v24 =	vsel @p2 vm0, v26, v24  }
0x1a7: {  	(xrf1) =	vsort.ascd.msk.f32 @p2 $0xffff, v21, v24;
	_ =	sdelay $0x7  }
0x1a8: {  	v21, v24, _ =	vpop (xrf1)  }
0x1a9: {  	v24 =	vperm.xlane v24, v12  }
0x1aa: {  	v21 =	vperm.xlane v21, v12;
	v25, v26, _ =	vpop @p1 (xrf1)  }
0x1ab: {  	v19 =	vpsel p1, v25, v19  }
0x1ac: {  	v25, v27, _ =	vpop @p1 (xrf1);
	v20 =	vpsel p1, v26, v20;
	vm14 =	vle.f32 v19, v21  }
0x1ad: {  	v25 =	vperm.xlane @p1 v25, v12;
	v27 =	vperm.xlane @p1 v27, v12;
	v63 =	vsel vm14, v19, v21  }
0x1ae: {  	v28 =	vsel vm14, v20, v24;
	v19 =	vsel vm14, v21, v19;
	v20 =	vsel vm14, v24, v20;
	v21, v24, _ =	vpop @p2 (xrf1)  }
0x1af: {  	(xrf1) =	vsort.ascd.msk.f32 $0xffff, v63, v28;
	v23 =	vpsel p1, v25, v23;
	v21 =	vpsel p2, v21, v17  }
0x1b0: {  	v22 =	vpsel p1, v27, v22;
	v24 =	vpsel p2, v24, v18;
	vm0 =	vle.f32 @p1 v21, v23  }
0x1b1: {  	(xrf1) =	vsort.ascd.msk.f32 $0xffff, v19, v20;
	v19 =	vsel @p1 vm0, v21, v23;
	v20 =	vsel @p1 vm0, v24, v22  }
0x1b2: {  	(xrf1) =	vsort.ascd.msk.f32 @p1 $0xffff, v19, v20;
	_ =	sdelay $0xb  }
0x1b3: {  	v19, v20, _ =	vpop (xrf1)  }
0x1b4: {  	v21, v22, _ =	vpop (xrf1)  }
0x1b5: {  	v21 =	vperm.xlane v21, v12;
	v23, v24, _ =	vpop @p1 (xrf1)  }
0x1b6: {  	v22 =	vperm.xlane v22, v12;
	v17 =	vpsel p1, v23, v17  }
0x1b7: {  	v18 =	vpsel p1, v24, v18;
	vm15 =	vle.f32 v17, v21  }
0x1b8: {  	v17 =	vsel vm15, v17, v21;
	v18 =	vsel vm15, v18, v22  }
0x1b9: {  	(xrf1) =	vsort.ascd.msk.f32 $0xffff, v17, v18;
	_ =	sdelay $0xd  }
0x1ba: {  	v17, v18, _ =	vpop (xrf1)  }
.LBB2_26:
0x1bb: {  	v22 =	vld [tilespmem:s28+$0xB481]  }
0x1bc: {  	v21 =	vld [tilespmem:s28+$0xB581];
	_ =	sdelay $0x3  }
0x1bd: {  	(v2sf) =	vpush v22, $0x0  }
0x1be: {  	(v2sf) =	vpush v21, $0x0;
	_ =	sdelay $0x9  }
0x1bf: {  	v23 =	vshrl.u32 v19, $0x1;
	v24 =	vmul.f32 $5.000000000e-01, v19  }
0x1c0: {  	v25 =	vshrl.u32 v17, $0x1;
	v26 =	vmul.f32 $5.000000000e-01, v17;
	v23 =	vsub.s32 $0x5F3759DF, v23  }
0x1c1: {  	v25 =	vsub.s32 $0x5F3759DF, v25;
	v24 =	vmul.f32 v23, v24  }
0x1c2: {  	v26 =	vmul.f32 v25, v26  }
0x1c3: {  	v24 =	vmul.f32 v23, v24;
	s31 =	spop (v2sf)  }
0x1c4: {  	v26 =	vmul.f32 v25, v26;
	s1 =	spop (v2sf)  }
0x1c5: {  	v24 =	vsub.f32 $1.500000000e+00, v24;
	s1 =	ssub.s32 s1, s31  }
0x1c6: {  	vm0 =	vlt.f32 v19, $5.000000000e+09;
	v26 =	vsub.f32 $1.500000000e+00, v26;
	s1 =	sadd.s32 $0xF, s1  }
0x1c7: {  	vm1 =	vlt.f32 v17, $5.000000000e+09;
	s0 =	sshll.u32 s28, $0x5;
	v20 =	vnsel vm0, s29, v20;
	v23 =	vmul.f32 v23, v24;
	s1 =	sshra.s32 s1, $0x4  }
0x1c8: {  	v18 =	vnsel vm1, s29, v18;
	[tilespmem:s0+$0x8200] =	vst v20;
	v20 =	vmul.f32 v25, v26;
	p1 =	sgt.s32 s1, $0x2  }
.Ltmp20:
0x1c9: {  	s30 =	sor.u32 $0x1, s28;
	[tilespmem:s0+$0x8210] =	vst v18;
	v18 =	vmul.f32 v23, v19;
	v19 =	vmov s29;
	(pc) =	sbr.rel @p1 .LBB2_28-.Ltmp20, $4  }
0x1ca: {  	v20 =	vmul.f32 v20, v17;
	s29 =	sor.u32 s6, s30;
	[tilespmem:s0+$0x9200] =	vst v19  }
0x1cb: {  	[tilespmem:s0+$0x9210] =	vst v19;
	v17 =	vld [tilespmem:s29+$0x0];
	v18 =	vnsel vm0, $0x0, v18  }
0x1cc: {  	v19 =	vnsel vm1, $0x0, v20;
	[tilespmem:s0+$0xA200] =	vst v18;
	v18 =	vld.idx.msk [tilespmem:v13+s30+$0x0 ss:$0x1], $0xffff  }
0x1cd: {  	[tilespmem:s0+$0xA210] =	vst v19;
	v19 =	vld.idx.msk [tilespmem:v14+s30+$0x0 ss:$0x1], $0xffff  }
0x1ce: {  	v20 =	vld [tilespmem:s31+$0x0]  }
0x1cf: {  	v23 =	vld [tilespmem:s31+$0x1000]  }
0x1d0: {  	v24 =	vld [tilespmem:s31+$0x10]  }
0x1d1: {  	v25 =	vld [tilespmem:s31+$0x1010]  }
0x1d2: {  	v26 =	vld [tilespmem:s31+$0x2000]  }
0x1d3: {  	v27 =	vld [tilespmem:s31+$0x2010];
	v17 =	vbroadcast v17, $0x0  }
0x1d4: {  	v18 =	vbroadcast v18, $0x0  }
0x1d5: {  	v19 =	vbroadcast v19, $0x0;
	v20 =	vsub.f32 v17, v20  }
0x1d6: {  	v23 =	vsub.f32 v18, v23;
	v17 =	vsub.f32 v17, v24  }
0x1d7: {  	v22 =	vbroadcast v22, $0x0;
	v18 =	vsub.f32 v18, v25;
	v62 =	vsub.f32 v19, v26  }
0x1d8: {  	v19 =	vsub.f32 v19, v27;
	v20 =	vmul.f32 v20, v20;
	v23 =	vmul.f32 v23, v23  }
0x1d9: {  	v63 =	vmul.f32 v17, v17;
	v18 =	vmul.f32 v18, v18  }
0x1da: {  	v21 =	vbroadcast v21, $0x0;
	v17 =	vadd.s32 v2, v22;
	v19 =	vmul.f32 v19, v19  }
0x1db: {  	v20 =	vadd.f32 v23, v20;
	v23 =	vmul.f32 v62, v62;
	v22 =	vadd.f32 v18, v63  }
0x1dc: {  	s0 =	sadd.s32 $0x10, s31;
	vm0 =	vlt.s32 v17, v21;
	vm1 =	vne.s32 v17, s29  }
.Ltmp21:
0x1dd: {  	v18 =	vadd.s32 s0, v2;
	v20 =	vadd.f32 v23, v20;
	v22 =	vadd.f32 v19, v22;
	(pc) =	sbr.rel .LBB2_35-.Ltmp21, $4  }
0x1de: {  	vm0 =	vmand vm0, vm1;
	vm14 =	vlt.s32 v18, v21;
	vm2 =	vne.s32 v18, s29  }
0x1df: {  	vm1 =	vmand vm14, vm2;
	vm3 =	vle.f32 v20, $1.000000000e+02;
	vm15 =	vle.f32 v22, $1.000000000e+02  }
0x1e0: {  	vm0 =	vmand vm0, vm3;
	vm1 =	vmand vm1, vm15  }
0x1e1: {  	s0 =	simm.s32 $0x20;
	v19 =	vnsel vm0, $0x501502F9, v20;
	v20 =	vnsel vm1, $0x501502F9, v22  }
.LBB2_28:
0x1e2: {  	p1 =	seq.s32 s1, $0x3  }
.Ltmp22:
0x1e3: {  	_ = 	snop;
	(pc) =	sbr.rel @!p1 .LBB2_29-.Ltmp22, $1  }
0x1e4: {  	_ =	sdelay $0x3  }
0x1e5: {  	v20 =	vld [tilespmem:s31+$0x0]  }
0x1e6: {  	v23 =	vld [tilespmem:s31+$0x1000];
	_ =	sdelay $0x1  }
0x1e7: {  	v24 =	vld [tilespmem:s31+$0x2000]  }
0x1e8: {  	v17 =	vbroadcast v17, $0x0;
	v18 =	vbroadcast v18, $0x0;
	v25 =	vld [tilespmem:s31+$0x10]  }
0x1e9: {  	v26 =	vld [tilespmem:s31+$0x1010]  }
0x1ea: {  	v27 =	vld [tilespmem:s31+$0x20];
	v20 =	vsub.f32 v17, v20;
	v23 =	vsub.f32 v18, v23  }
0x1eb: {  	v28 =	vld [tilespmem:s31+$0x1020]  }
0x1ec: {  	v29 =	vld [tilespmem:s31+$0x2010];
	v20 =	vmul.f32 v20, v20;
	v23 =	vmul.f32 v23, v23  }
0x1ed: {  	v19 =	vbroadcast v19, $0x0  }
0x1ee: {  	v22 =	vbroadcast v22, $0x0;
	v20 =	vadd.f32 v23, v20;
	v23 =	vld [tilespmem:s31+$0x2020]  }
0x1ef: {  	v21 =	vbroadcast v21, $0x0;
	v24 =	vsub.f32 v19, v24;
	v25 =	vsub.f32 v17, v25  }
0x1f0: {  	v27 =	vsub.f32 v17, v27;
	v26 =	vsub.f32 v18, v26;
	v17 =	vadd.s32 v2, v22  }
0x1f1: {  	v18 =	vsub.f32 v18, v28;
	v62 =	vsub.f32 v19, v29;
	vm0 =	vlt.s32 v17, v21  }
0x1f2: {  	vm1 =	vne.s32 v17, s29;
	v22 =	vmul.f32 v24, v24;
	v25 =	vmul.f32 v25, v25  }
0x1f3: {  	s0 =	sadd.s32 $0x10, s31;
	v18 =	vmul.f32 v18, v18;
	s31 =	sadd.s32 $0x20, s31;
	v19 =	vsub.f32 v19, v23;
	v23 =	vmul.f32 v27, v27  }
0x1f4: {  	v26 =	vmul.f32 v26, v26;
	v24 =	vmul.f32 v62, v62;
	v63 =	vadd.s32 s31, v2  }
0x1f5: {  	v20 =	vadd.f32 v22, v20;
	v23 =	vadd.f32 v18, v23;
	v19 =	vmul.f32 v19, v19  }
0x1f6: {  	v22 =	vadd.f32 v26, v25;
	vm3 =	vlt.s32 v63, v21;
	vm4 =	vne.s32 v63, s29  }
0x1f7: {  	vm0 =	vmand vm0, vm1;
	vm3 =	vmand vm3, vm4;
	v19 =	vadd.f32 v19, v23  }
.Ltmp23:
0x1f8: {  	v22 =	vadd.f32 v24, v22;
	vm14 =	vle.f32 v20, $1.000000000e+02;
	v18 =	vadd.s32 s0, v2;
	(pc) =	sbr.rel .LBB2_35-.Ltmp23, $4  }
0x1f9: {  	vm2 =	vlt.s32 v18, v21;
	vm5 =	vne.s32 v18, s29;
	vm11 =	vle.f32 v19, $1.000000000e+02  }
0x1fa: {  	vm15 =	vle.f32 v22, $1.000000000e+02;
	vm12 =	vmand vm2, vm5;
	vm13 =	vmand vm3, vm11  }
0x1fb: {  	[tilespmem:$0x71E0] =	vst v63;
	vm0 =	vmand vm0, vm14;
	vm1 =	vmand vm12, vm15;
	v19 =	vnsel vm13, $0x501502F9, v19  }
0x1fc: {  	s0 =	simm.s32 $0x30;
	[tilespmem:$0x5160] =	vst v19;
	v19 =	vnsel vm0, $0x501502F9, v20;
	v20 =	vnsel vm1, $0x501502F9, v22  }
.LBB2_29:
0x1fd: {  	s0 =	sshll.u32 s31, $0x2  }
0x1fe: {  	v22 =	vld [tilespmem:s31+$0x1000];
	s14 =	sshra.s32 s0, $0x2  }
0x1ff: {  	v23 =	vld [tilespmem:s14+$0x0];
	_ =	sdelay $0x1  }
0x200: {  	v24 =	vld [tilespmem:s31+$0x2000]  }
0x201: {  	v17 =	vbroadcast v17, $0x0;
	v18 =	vbroadcast v18, $0x0;
	_ =	sdelay $0x1  }
0x202: {  	v19 =	vbroadcast v19, $0x0;
	v22 =	vsub.f32 v18, v22;
	v23 =	vsub.f32 v17, v23;
	_ =	sdelay $0x1  }
0x203: {  	v24 =	vsub.f32 v19, v24;
	v22 =	vmul.f32 v22, v22;
	v23 =	vmul.f32 v23, v23  }
0x204: {  	p2 =	sne.s32 s1, $0x1  }
.Ltmp24:
0x205: {  	v24 =	vmul.f32 v24, v24;
	v23 =	vadd.f32 v22, v23;
	(pc) =	sbr.rel @!p2 .LBB2_30-.Ltmp24, $4  }
0x206: {  	v20 =	vbroadcast v21, $0x0  }
0x207: {  	v21 =	vmov s29;
	v22 =	vadd.s32 s31, v2;
	v23 =	vadd.f32 v24, v23  }
0x208: {  	vm0 =	vlt.s32 v22, v20;
	vm1 =	vne.s32 v22, v21  }
0x209: {  	s22 =	sadd.s32 $0xFFFFFFFF, s1;
	p1 =	por $0x0, $0x0;
	s0 =	simm.s32 $0x0;
	vm0 =	vmand vm0, vm1;
	vm1 =	vle.f32 v23, $1.000000000e+02  }
0x20a: {  	vm0 =	vmand vm0, vm1  }
0x20b: {  	v23 =	vnsel vm0, $0x501502F9, v23;
	v24 =	vmpcnt.ones.xlane vm0  }
0x20c: {  	[tilespmem:s0+$0x5140] =	vst.msk vm0, v23  }
0x20d: {  	s1 =	sadd.s32 $0x10, s31;
	[tilespmem:s0+$0x71C0] =	vst.msk vm0, v22;
	(v2sf) =	vpush v24, $0x0  }
0x20e: {  	s31 =	sadd.s32 $0x10, s14;
	v22 =	vld [tilespmem:s1+$0x1000]  }
0x20f: {  	v23 =	vld [tilespmem:s31+$0x0];
	_ =	sdelay $0x1  }
0x210: {  	v63 =	vld [tilespmem:s1+$0x2000];
	_ =	sdelay $0x2  }
0x211: {  	v22 =	vsub.f32 v18, v22;
	v23 =	vsub.f32 v17, v23;
	_ =	sdelay $0x1  }
0x212: {  	v24 =	vsub.f32 v19, v63;
	v23 =	vmul.f32 v23, v23;
	v22 =	vmul.f32 v22, v22  }
0x213: {  	p2 =	sne.s32 s22, $0x1  }
.Ltmp25:
0x214: {  	v24 =	vmul.f32 v24, v24;
	v23 =	vadd.f32 v22, v23;
	(pc) =	sbr.rel @!p2 .LBB2_32-.Ltmp25, $4  }
0x215: {  	_ = 	snop  }
0x216: {  	v22 =	vadd.s32 s1, v2;
	v23 =	vadd.f32 v24, v23  }
0x217: {  	s22 =	sadd.s32 $0xFFFFFFFF, s22;
	vm0 =	vlt.s32 v22, v20;
	vm1 =	vne.s32 v22, v21  }
0x218: {  	p1 =	por $0x1, $0x1;
	s14 =	simm.s32 $0x0;
	vm0 =	vmand vm0, vm1;
	vm1 =	vle.f32 v23, $1.000000000e+02;
	s23 =	spop (v2sf)  }
.LBB2_33:
0x219: {  	p2 =	sne.s32 s22, $0x1;
	s22 =	sadd.s32 $0xFFFFFFFF, s22;
	vm0 =	vmand vm0, vm1;
	s14 =	sadd.s32 s14, s23  }
0x21a: {  	v23 =	vnsel vm0, $0x501502F9, v23;
	v24 =	vmpcnt.ones.xlane vm0  }
0x21b: {  	[tilespmem:s14+$0x5140] =	vst.msk vm0, v23  }
0x21c: {  	s1 =	sadd.s32 $0x10, s1;
	[tilespmem:s14+$0x71C0] =	vst.msk vm0, v22;
	(v2sf) =	vpush v24, $0x0  }
0x21d: {  	s31 =	sadd.s32 $0x10, s31;
	v22 =	vld [tilespmem:s1+$0x1000]  }
0x21e: {  	v23 =	vld [tilespmem:s31+$0x0];
	_ =	sdelay $0x1  }
0x21f: {  	v24 =	vld [tilespmem:s1+$0x2000];
	_ =	sdelay $0x1  }
0x220: {  	v22 =	vsub.f32 v18, v22  }
0x221: {  	v23 =	vsub.f32 v17, v23;
	_ =	sdelay $0x1  }
0x222: {  	v22 =	vmul.f32 v22, v22;
	v24 =	vsub.f32 v19, v24;
	v23 =	vmul.f32 v23, v23;
	_ =	sdelay $0x1  }
.Ltmp26:
0x223: {  	v23 =	vadd.f32 v22, v23;
	v24 =	vmul.f32 v24, v24;
	(pc) =	sbr.rel @p2 .LBB2_33-.Ltmp26, $4  }
0x224: {  	_ = 	snop  }
0x225: {  	v22 =	vadd.s32 s1, v2;
	v23 =	vadd.f32 v24, v23  }
0x226: {  	vm0 =	vlt.s32 v22, v20;
	vm1 =	vne.s32 v22, v21  }
0x227: {  	vm0 =	vmand vm0, vm1;
	vm1 =	vle.f32 v23, $1.000000000e+02;
	s23 =	spop (v2sf)  }
.LBB2_34:
0x228: {  	vm0 =	vmand vm0, vm1  }
0x229: {  	v17 =	vmpcnt.ones.xlane vm0;
	_ =	sdelay $0x1  }
0x22a: {  	(v2sf) =	vpush v17, $0x0;
	_ =	sdelay $0xc  }
0x22b: {  	s1 =	sadd.s32 @p1 s14, s23  }
0x22c: {  	s0 =	smov.u32 @p1 s1;
	v17 =	vnsel vm0, $0x501502F9, v23  }
0x22d: {  	[tilespmem:s0+$0x5140] =	vst.msk vm0, v17;
	s31 =	spop (v2sf)  }
0x22e: {  	[tilespmem:s0+$0x71C0] =	vst.msk vm0, v22;
	s0 =	sadd.s32 s0, s31  }
0x22f: {  	[tilespmem:s0+$0x5140] =	vst v15  }
0x230: {  	[tilespmem:s0+$0x5150] =	vst v15  }
0x231: {  	v19 =	vld [tilespmem:$0x5140]  }
0x232: {  	v17 =	vld [tilespmem:$0x71C0]  }
0x233: {  	v20 =	vld [tilespmem:$0x5150]  }
0x234: {  	v18 =	vld [tilespmem:$0x71D0]  }
.LBB2_35:
0x235: {  	_ =	sdelay $0x2  }
0x236: {  	(xrf1) =	vsort.ascd.msk.f32 $0xffff, v19, v17  }
0x237: {  	(xrf1) =	vsort.ascd.msk.f32 $0xffff, v20, v18;
	_ =	sdelay $0xc  }
0x238: {  	v17, v18, _ =	vpop (xrf1)  }
0x239: {  	v19, v20, _ =	vpop (xrf1)  }
0x23a: {  	v19 =	vperm.xlane v19, v12  }
0x23b: {  	v20 =	vperm.xlane v20, v12  }
0x23c: {  	vm0 =	vle.f32 v17, v19  }
0x23d: {  	v21 =	vsel vm0, v17, v19;
	v22 =	vsel vm0, v18, v20  }
0x23e: {  	v17 =	vsel vm0, v19, v17;
	v18 =	vsel vm0, v20, v18;
	(xrf1) =	vsort.ascd.msk.f32 $0xffff, v21, v22  }
0x23f: {  	(xrf1) =	vsort.ascd.msk.f32 $0xffff, v17, v18;
	_ =	sdelay $0x6  }
0x240: {  	s1 =	sadd.s32 $0xF, s0  }
0x241: {  	s1 =	sshra.s32 s1, $0x4  }
0x242: {  	p1 =	slt.s32 s1, $0x3  }
.Ltmp27:
0x243: {  	_ = 	snop;
	(pc) =	sbr.rel @p1 .LBB2_45-.Ltmp27, $3  }
0x244: {  	_ =	sdelay $0x1  }
0x245: {  	v19, v20, _ =	vpop (xrf1)  }
0x246: {  	v17, v18, _ =	vpop (xrf1)  }
0x247: {  	s14 =	simm.s32 $0x5160  }
0x248: {  	s22 =	simm.s32 $0x71E0;
	v22 =	vld [tilespmem:s14+$0x0]  }
0x249: {  	s31 =	sadd.s32 $0xFFFFFFFE, s1;
	v23 =	vld [tilespmem:s22+$0x0]  }
0x24a: {  	s23 =	simm.s32 $0x20;
	p4 =	sne.s32 s31, $0x1  }
.Ltmp28:
0x24b: {  	v21 =	vmov s0;
	v24 =	vor.u32 s23, v2;
	(pc) =	sbr.rel @!p4 .LBB2_37-.Ltmp28, $4  }
0x24c: {  	vm0 =	vlt.s32 v24, v21  }
0x24d: {  	v22 =	vnsel vm0, $0x501502F9, v22  }
0x24e: {  	p1 =	por $0x0, $0x0;
	(xrf1) =	vsort.ascd.msk.f32 $0xffff, v22, v23  }
0x24f: {  	p2 =	por $0x0, $0x0;
	p3 =	por $0x0, $0x0;
	s0 =	sadd.s32 $0xFFFFFFFF, s31  }
0x250: {  	_ =	sdelay $0x8  }
0x251: {  	s1 =	simm.s32 $0x5170  }
0x252: {  	s23 =	simm.s32 $0x71F0;
	v22 =	vld [tilespmem:s1+$0x0]  }
0x253: {  	v23 =	vld [tilespmem:s23+$0x0]  }
0x254: {  	s31 =	simm.s32 $0x30;
	v24, v25, _ =	vpop (xrf1)  }
0x255: {  	p4 =	sne.s32 s0, $0x1;
	v26 =	vor.u32 s31, v2;
	v24 =	vperm.xlane v24, v12  }
.Ltmp29:
0x256: {  	vm0 =	vlt.s32 v26, v21;
	v25 =	vperm.xlane v25, v12;
	(pc) =	sbr.rel @!p4 .LBB2_39-.Ltmp29, $4  }
0x257: {  	v22 =	vnsel vm0, $0x501502F9, v22;
	vm15 =	vle.f32 v19, v24  }
0x258: {  	(xrf1) =	vsort.ascd.msk.f32 $0xffff, v22, v23;
	v22 =	vsel vm15, v19, v24;
	v23 =	vsel vm15, v20, v25  }
0x259: {  	v24 =	vsel vm15, v24, v19;
	v25 =	vsel vm15, v25, v20;
	(xrf1) =	vsort.ascd.msk.f32 $0xffff, v22, v23  }
0x25a: {  	s0 =	sadd.s32 $0xFFFFFFFF, s0;
	p1 =	por $0x1, $0x1;
	(xrf1) =	vsort.ascd.msk.f32 $0xffff, v24, v25  }
0x25b: {  	_ =	sdelay $0x7  }
0x25c: {  	s1 =	simm.s32 $0x5180  }
0x25d: {  	s23 =	simm.s32 $0x7200;
	v22 =	vld [tilespmem:s1+$0x0]  }
0x25e: {  	v23 =	vld [tilespmem:s23+$0x0]  }
0x25f: {  	s31 =	simm.s32 $0x40;
	v24, v25, _ =	vpop (xrf1)  }
0x260: {  	p4 =	sne.s32 s0, $0x1;
	v26 =	vor.u32 s31, v2;
	v24 =	vperm.xlane v24, v12  }
.Ltmp30:
0x261: {  	vm0 =	vlt.s32 v26, v21;
	v25 =	vperm.xlane v25, v12;
	v63, v27, _ =	vpop (xrf1);
	(pc) =	sbr.rel @!p4 .LBB2_41-.Ltmp30, $4  }
0x262: {  	v22 =	vnsel vm0, $0x501502F9, v22;
	vm15 =	vle.f32 v63, v24  }
0x263: {  	(xrf1) =	vsort.ascd.msk.f32 $0xffff, v22, v23;
	v22 =	vsel vm15, v63, v24;
	v23 =	vsel vm15, v27, v25  }
0x264: {  	v28, v29, _ =	vpop (xrf1);
	v24 =	vsel vm15, v24, v63;
	v25 =	vsel vm15, v25, v27;
	(xrf1) =	vsort.ascd.msk.f32 $0xffff, v22, v23  }
0x265: {  	s14 =	sadd.s32 $0xFFFFFFFF, s0;
	p2 =	por $0x1, $0x1;
	v22 =	vperm.xlane v29, v12;
	v23 =	vperm.xlane v28, v12;
	(xrf1) =	vsort.ascd.msk.f32 $0xffff, v24, v25  }
0x266: {  	_ =	sdelay $0x1  }
0x267: {  	vm0 =	vle.f32 v17, v23  }
0x268: {  	v28 =	vsel vm0, v17, v23;
	v30 =	vsel vm0, v18, v22  }
0x269: {  	(xrf1) =	vsort.ascd.msk.f32 $0xffff, v28, v30;
	_ =	sdelay $0x2  }
0x26a: {  	s0 =	simm.s32 $0x5190  }
0x26b: {  	s31 =	simm.s32 $0x7210;
	v24 =	vld [tilespmem:s0+$0x0]  }
0x26c: {  	v25 =	vld [tilespmem:s31+$0x0]  }
0x26d: {  	s1 =	simm.s32 $0x50  }
0x26e: {  	v29 =	vor.u32 s1, v2;
	v26, v27, _ =	vpop (xrf1)  }
0x26f: {  	p4 =	sne.s32 s14, $0x1;
	vm14 =	vlt.s32 v29, v21;
	v26 =	vperm.xlane v26, v12  }
.Ltmp31:
0x270: {  	v24 =	vnsel vm14, $0x501502F9, v24;
	v27 =	vperm.xlane v27, v12;
	v63, v31, _ =	vpop (xrf1);
	(pc) =	sbr.rel @!p4 .LBB2_44-.Ltmp31, $4  }
0x271: {  	(xrf1) =	vsort.ascd.msk.f32 $0xffff, v24, v25;
	vm15 =	vle.f32 v63, v26  }
0x272: {  	v24 =	vsel vm15, v63, v26;
	v25 =	vsel vm15, v31, v27  }
0x273: {  	v28, v30, _ =	vpop (xrf1);
	v26 =	vsel vm15, v26, v63;
	v27 =	vsel vm15, v27, v31;
	(xrf1) =	vsort.ascd.msk.f32 $0xffff, v24, v25  }
0x274: {  	s14 =	sadd.s32 $0xFFFFFFFF, s14;
	p3 =	por $0x1, $0x1;
	v24 =	vperm.xlane v30, v12;
	v25 =	vperm.xlane v28, v12;
	(xrf1) =	vsort.ascd.msk.f32 $0xffff, v26, v27  }
.LBB2_43:
0x275: {  	p4 =	sne.s32 s14, $0x1;
	s14 =	sadd.s32 $0xFFFFFFFF, s14;
	v27, v26, _ =	vpop (xrf1)  }
0x276: {  	vm0 =	vle.f32 v27, v25  }
0x277: {  	v25 =	vsel vm0, v27, v25;
	v24 =	vsel vm0, v26, v24  }
0x278: {  	(xrf1) =	vsort.ascd.msk.f32 $0xffff, v25, v24;
	_ =	sdelay $0x2  }
0x279: {  	s0 =	sadd.s32 $0x10, s0  }
0x27a: {  	s31 =	sadd.s32 $0x10, s31;
	v24 =	vld [tilespmem:s0+$0x0]  }
0x27b: {  	v25 =	vld [tilespmem:s31+$0x0]  }
0x27c: {  	s1 =	sadd.s32 $0x10, s1  }
0x27d: {  	v26 =	vor.u32 s1, v2;
	v27, v28, _ =	vpop (xrf1)  }
0x27e: {  	vm0 =	vlt.s32 v26, v21;
	v26 =	vperm.xlane v27, v12  }
.Ltmp32:
0x27f: {  	v27 =	vperm.xlane v28, v12;
	v30 =	vnsel vm0, $0x501502F9, v24;
	v29, v28, _ =	vpop (xrf1);
	(pc) =	sbr.rel @p4 .LBB2_43-.Ltmp32, $4  }
0x280: {  	(xrf1) =	vsort.ascd.msk.f32 $0xffff, v30, v25;
	vm0 =	vle.f32 v29, v26;
	v25, v24, _ =	vpop (xrf1)  }
0x281: {  	v30 =	vsel vm0, v29, v26;
	v31 =	vsel vm0, v28, v27;
	v24 =	vperm.xlane v24, v12  }
0x282: {  	v26 =	vsel vm0, v26, v29;
	v27 =	vsel vm0, v27, v28;
	(xrf1) =	vsort.ascd.msk.f32 $0xffff, v30, v31  }
0x283: {  	v25 =	vperm.xlane v25, v12;
	(xrf1) =	vsort.ascd.msk.f32 $0xffff, v26, v27  }
.Ltmp33:
0x284: {  	_ = 	snop;
	(pc) =	sbr.rel .LBB2_44-.Ltmp33, $1  }
0x285: {  	_ =	sdelay $0x3  }
.LBB2_18:
.Ltmp34:
0x286: {  	(pc) =	sbr.rel .LBB2_25-.Ltmp34, $2  }
0x287: {  	_ =	sdelay $0x2  }
0x288: {  	_ = 	snop  }
.LBB2_20:
.Ltmp35:
0x289: {  	(pc) =	sbr.rel .LBB2_25-.Ltmp35, $2  }
0x28a: {  	_ =	sdelay $0x2  }
0x28b: {  	_ = 	snop  }
.LBB2_39:
.Ltmp36:
0x28c: {  	(pc) =	sbr.rel .LBB2_44-.Ltmp36, $2  }
0x28d: {  	_ =	sdelay $0x2  }
0x28e: {  	_ = 	snop  }
.LBB2_22:
.Ltmp37:
0x28f: {  	(pc) =	sbr.rel .LBB2_25-.Ltmp37, $2  }
0x290: {  	_ =	sdelay $0x2  }
0x291: {  	v25 =	vmov v23;
	v24 =	vmov v22  }
.LBB2_41:
.Ltmp38:
0x292: {  	(pc) =	sbr.rel .LBB2_44-.Ltmp38, $2  }
0x293: {  	_ =	sdelay $0x2  }
0x294: {  	v25 =	vmov v23;
	v24 =	vmov v22  }
.LBB2_11:
.Ltmp39:
0x295: {  	(pc) =	sbr.rel .LBB2_15-.Ltmp39, $2  }
0x296: {  	_ =	sdelay $0x2  }
0x297: {  	s30 =	simm.s32 $0x0  }
.LBB2_30:
.Ltmp40:
0x298: {  	(pc) =	sbr.rel .LBB2_34-.Ltmp40, $2  }
0x299: {  	_ =	sdelay $0x2  }
0x29a: {  	s14 =	simm.s32 $0x0  }
.LBB2_13:
.Ltmp41:
0x29b: {  	(pc) =	sbr.rel .LBB2_15-.Ltmp41, $2  }
0x29c: {  	_ =	sdelay $0x2  }
0x29d: {  	s30 =	simm.s32 $0x0  }
.LBB2_32:
.Ltmp42:
0x29e: {  	(pc) =	sbr.rel .LBB2_34-.Ltmp42, $2  }
0x29f: {  	_ =	sdelay $0x2  }
0x2a0: {  	s14 =	simm.s32 $0x0  }
.LBB2_2:
.Ltmp43:
0x2a1: {  	(pc) =	sbr.rel .LBB2_6-.Ltmp43, $2  }
0x2a2: {  	_ =	sdelay $0x2  }
0x2a3: {  	s1 =	smov.u32 s7  }
.LBB2_4:
.Ltmp44:
0x2a4: {  	(pc) =	sbr.rel .LBB2_6-.Ltmp44, $2  }
0x2a5: {  	_ =	sdelay $0x2  }
0x2a6: {  	s1 =	smov.u32 s7  }
.LBB2_47:
0x2a7: {  	_ =	sfence.sel $0x180000  }
0x2a8: {  	[bflag:$0x0] =	sbarrier.arrive $0xFFFF  }
0x2a9: {  	_ =	strace $0x90000047  }
0x2aa: {  	[bflag:$0x2] =	sbarrier.arrive $0xFFFF  }
0x2ab: {  	s0 =	rddreg [dreg:$0x6]  }
0x2ac: {  	s0 =	sadd.s32 @!p0 $0x100000, s0  }
0x2ad: {  	[sflag:s0] =	ssyncadd.tile.s32 @!p0 $0x1;
	_ =	shalt  }
.Lfunc_end2:
_tile_overlayer_lowered:
.L_overlay_start_2:
0x2ae: {  	(tag) =	ssettag $0x2  }
0x2af: {  	s0 =	rddreg [dreg:$0x0];
	s2 =	stileid.u32  }
0x2b0: {  	s1 =	rddreg [dreg:$0x1];
	p0 =	sne.s32 s2, $0x0  }
0x2b1: {  	s3 =	rddreg [dreg:$0x2];
	[bflag:$0x3] =	sbarrier.arrive $0xFFFF;
	s2 =	simm.s32 @!p0 $0x1C03  }
0x2b2: {  	[timem:s3], [sflag:s2] =	dma.local @!p0 [hbm:s0], s1  }
0x2b3: {  	s0 =	simm.s32 @!p0 $0x3  }
0x2b4: {  	_ =	swait.ge @!p0 [sflag:s0], s1  }
0x2b5: {  	s1 =	ssub.s32 @!p0 $0x0, s1;
	[sflag:s0] =	ssyncset.done @!p0 $0x0  }
0x2b6: {  	[sflag:s0] =	ssyncadd.s32 @!p0 s1  }
0x2b7: {  	[bflag:$0x3] =	sbarrier.arrive $0xFFFF  }
0x2b8: {  	_ =	shalt  }

</sc_bundles>
